<compile_context>
chip_gen: v7x
topology: tpu7x:2x2x1
jax: 0.10.2.dev20260603
libtpu: 0.0.44.dev20260713+nightly
codegen_flags: <defaults>
</compile_context>

<pallas_src>
import functools

import jax
import jax.numpy as jnp
from jax import lax
from jax.experimental import pallas as pl
from jax.experimental.pallas import tpu as pltpu
from jax.experimental.pallas import tpu_sc as plsc

NC = 2
NS = 16
NW = NC * NS
CHUNK = 8
NBUF = 6
KSC = 4


def _build_normalize(vocab, dim):
    blk = 1024

    def norm_kernel(w_ref, o_ref):
        v = w_ref[...]
        ss = jnp.sum(v * v, axis=1, keepdims=True)
        o_ref[...] = v * lax.rsqrt(jnp.maximum(ss, 1e-24))

    return pl.pallas_call(
        norm_kernel,
        grid=(vocab // blk,),
        in_specs=[pl.BlockSpec((blk, dim), lambda i: (i, 0))],
        out_specs=pl.BlockSpec((blk, dim), lambda i: (i, 0)),
        out_shape=jax.ShapeDtypeStruct((vocab, dim), jnp.float32),
    )


def _build_gather(rows, dim):
    per_w = rows // NW
    nchunk = per_w // CHUNK
    mesh = plsc.VectorSubcoreMesh(core_axis_name="c", subcore_axis_name="s")

    @functools.partial(
        pl.kernel,
        mesh=mesh,
        out_type=jax.ShapeDtypeStruct((rows, dim), jnp.float32),
        scratch_types=(
            [pltpu.VMEM((nchunk, CHUNK), jnp.int32)]
            + [pltpu.VMEM((CHUNK, dim), jnp.float32)] * NBUF
            + [pltpu.SemaphoreType.DMA] * (2 * NBUF)
        ),
    )
    def gather_kernel(x_hbm, table_hbm, out_hbm, idx_v, *scr):
        bufs = scr[:NBUF]
        gsems = scr[NBUF:2 * NBUF]
        wsems = scr[2 * NBUF:]
        cid = lax.axis_index("c")
        sid = lax.axis_index("s")
        wid = sid * NC + cid
        base = wid * per_w
        n = nchunk

        pltpu.sync_copy(x_hbm.at[wid], idx_v)

        def start_gather(g, b):
            pltpu.async_copy(table_hbm.at[idx_v.at[g]], bufs[b], gsems[b])

        def wait_gather(b):
            pltpu.make_async_copy(
                out_hbm.at[pl.ds(base, CHUNK)], bufs[b], gsems[b]
            ).wait()

        def start_scatter(g, b):
            pltpu.async_copy(
                bufs[b], out_hbm.at[pl.ds(base + g * CHUNK, CHUNK)], wsems[b]
            )

        def wait_scatter(b):
            pltpu.make_async_copy(
                bufs[b], out_hbm.at[pl.ds(base, CHUNK)], wsems[b]
            ).wait()

        def step(g, b, first_round=False):
            wait_gather(b)
            start_scatter(g, b)
            if not first_round:
                wait_scatter((b + NBUF - KSC) % NBUF)

            @pl.when(g + NBUF - KSC < n)
            def _():
                start_gather(g + NBUF - KSC, (b + NBUF - KSC) % NBUF)

        for j in range(NBUF - KSC):
            start_gather(j, j)
        for g in range(NBUF):
            step(g, g, first_round=(g < KSC))

        def core(i, carry):
            g0 = i * NBUF
            for b in range(NBUF):
                step(g0 + b, b)
            return carry

        lax.fori_loop(1, n // NBUF, core, 0)

        for g in range((n // NBUF) * NBUF, n):
            step(g, g % NBUF)
        for g in range(n - KSC, n):
            wait_scatter(g % NBUF)

    return gather_kernel


_CACHE = {}


def kernel(x, emb_weight):
    b, s = x.shape
    vocab, dim = emb_weight.shape
    rows = b * s
    key = (rows, vocab, dim)
    if key not in _CACHE:
        _CACHE[key] = (_build_normalize(vocab, dim), _build_gather(rows, dim))
    normalize, gather = _CACHE[key]
    table_n = normalize(emb_weight)
    xw = x.reshape(NW, rows // (NW * CHUNK), CHUNK).astype(jnp.int32)
    out = gather(xw, table_n)
    return out.reshape(b, s, dim)

# --- scband reference (transcript-rebuilt; emitter-appended) ---
"""Pipeline reference for scband-absolute-positional-embedding-18760417149023 (READ-ONLY COPY).

The authoritative reference and input builder live on the scoring server;
editing this copy changes nothing except your own understanding.
"""

import jax, jax.numpy as jnp
import numpy as np

DIM = 2048
MAX_LEN = 8192
BATCH = 4
SEQ = 8192

def setup_inputs(seed: int = 0) -> dict:
    key = jax.random.key(seed)
    k1, k2 = jax.random.split(key)
    x = jax.random.randint(k1, (BATCH, SEQ), 0, MAX_LEN, dtype=jnp.int64) if jax.config.jax_enable_x64 else jax.random.randint(k1, (BATCH, SEQ), 0, MAX_LEN, dtype=jnp.int32)
    emb_weight = jax.random.normal(k2, (MAX_LEN, DIM), dtype=jnp.float32)
    return {"x": x, "emb_weight": emb_weight}

def reference(x, emb_weight):
    # nn.Embedding lookup: gather rows of the table
    pos_emb = jnp.take(emb_weight, x, axis=0)  # [B, S, DIM]
    # F.normalize(p=2, dim=-1): v / max(||v||_2, eps), eps=1e-12
    norm = jnp.linalg.norm(pos_emb, ord=2, axis=-1, keepdims=True)
    denom = jnp.maximum(norm, 1e-12)
    return pos_emb / denom

if __name__ == "__main__":
    import jax
    _d = setup_inputs()
    print(jax.jit(kernel)(*tuple(_d.values())))

</pallas_src>

<mosaic_0001>
#map = affine_map<(d0, d1) -> (0, 0, 0)>
#map1 = affine_map<(d0, d1) -> (0, 0)>
module attributes {stable_mosaic.version = 14 : i64} {
  func.func @gather_kernel(%arg0: i32, %arg1: i32, %arg2: memref<32x128x8xi32, #tpu.memory_space<hbm>>, %arg3: memref<8192x2048xf32, #tpu.memory_space<hbm>>, %arg4: memref<32768x2048xf32, #tpu.memory_space<hbm>>, %arg5: memref<128x8xi32, #tpu.memory_space<vmem>>, %arg6: memref<8x2048xf32, #tpu.memory_space<vmem>>, %arg7: memref<8x2048xf32, #tpu.memory_space<vmem>>, %arg8: memref<8x2048xf32, #tpu.memory_space<vmem>>, %arg9: memref<8x2048xf32, #tpu.memory_space<vmem>>, %arg10: memref<8x2048xf32, #tpu.memory_space<vmem>>, %arg11: memref<8x2048xf32, #tpu.memory_space<vmem>>, %arg12: memref<!tpu.dma_semaphore, #tpu.memory_space<semaphore_mem>>, %arg13: memref<!tpu.dma_semaphore, #tpu.memory_space<semaphore_mem>>, %arg14: memref<!tpu.dma_semaphore, #tpu.memory_space<semaphore_mem>>, %arg15: memref<!tpu.dma_semaphore, #tpu.memory_space<semaphore_mem>>, %arg16: memref<!tpu.dma_semaphore, #tpu.memory_space<semaphore_mem>>, %arg17: memref<!tpu.dma_semaphore, #tpu.memory_space<semaphore_mem>>, %arg18: memref<!tpu.dma_semaphore, #tpu.memory_space<semaphore_mem>>, %arg19: memref<!tpu.dma_semaphore, #tpu.memory_space<semaphore_mem>>, %arg20: memref<!tpu.dma_semaphore, #tpu.memory_space<semaphore_mem>>, %arg21: memref<!tpu.dma_semaphore, #tpu.memory_space<semaphore_mem>>, %arg22: memref<!tpu.dma_semaphore, #tpu.memory_space<semaphore_mem>>, %arg23: memref<!tpu.dma_semaphore, #tpu.memory_space<semaphore_mem>>) attributes {dimension_semantics = [#tpu.dimension_semantics<core_parallel>, #tpu.dimension_semantics<subcore_parallel>], iteration_bounds = array<i64: 2, 16>, scalar_prefetch = 0 : i64, scratch_operands = 19 : i64, tpu.core_type = #tpu.core_type<sc_vector_subcore>, window_params = [{transform_indices = #map}, {transform_indices = #map1}, {transform_indices = #map1}]} {
    %mul3A = arith.constant 2 : i32
    %mul3A_0 = arith.muli %arg1, %mul3A : i32
    %add3A = arith.addi %mul3A_0, %arg0 : i32
    %mul3A_1 = arith.constant 1024 : i32
    %mul3A_2 = arith.muli %add3A, %mul3A_1 : i32
    "tpu.region"() ({
      %run_scoped3A = tpu.sem_alloc : memref<!tpu.dma_semaphore, #tpu.memory_space<semaphore_mem>>
      %dma_start3A_174 = arith.constant 0 : i32
      %dma_start3A_175 = arith.constant 0 : i32
      %dma_start3A_176 = tpu.memref_slice %arg2[%add3A, %dma_start3A_174, %dma_start3A_175] : memref<32x128x8xi32, #tpu.memory_space<hbm>> -> memref<1x128x8xi32, #tpu.memory_space<hbm>>
      %dma_start3A_177 = tpu.memref_squeeze %dma_start3A_176 : memref<1x128x8xi32, #tpu.memory_space<hbm>> -> memref<128x8xi32, #tpu.memory_space<hbm>>
      %dma_start3A_178 = arith.constant 0 : i32
      %dma_start3A_179 = arith.constant 0 : i32
      %dma_start3A_180 = tpu.memref_slice %arg2[%add3A, %dma_start3A_178, %dma_start3A_179] : memref<32x128x8xi32, #tpu.memory_space<hbm>> -> memref<1x128x8xi32, #tpu.memory_space<hbm>>
      %dma_start3A_181 = tpu.memref_squeeze %dma_start3A_180 : memref<1x128x8xi32, #tpu.memory_space<hbm>> -> memref<128x8xi32, #tpu.memory_space<hbm>>
      tpu.enqueue_dma source(%dma_start3A_181 : memref<128x8xi32, #tpu.memory_space<hbm>>) target(%arg5 : memref<128x8xi32, #tpu.memory_space<vmem>>) target_semaphore(%run_scoped3A : memref<!tpu.dma_semaphore, #tpu.memory_space<semaphore_mem>>)
      %dma_wait3A_182 = arith.constant 0 : i32
      %dma_wait3A_183 = arith.constant 0 : i32
      %dma_wait3A_184 = tpu.memref_slice %arg2[%add3A, %dma_wait3A_182, %dma_wait3A_183] : memref<32x128x8xi32, #tpu.memory_space<hbm>> -> memref<1x128x8xi32, #tpu.memory_space<hbm>>
      %dma_wait3A_185 = tpu.memref_squeeze %dma_wait3A_184 : memref<1x128x8xi32, #tpu.memory_space<hbm>> -> memref<128x8xi32, #tpu.memory_space<hbm>>
      %dma_wait3A_186 = arith.constant 0 : i32
      %dma_wait3A_187 = arith.constant 0 : i32
      %dma_wait3A_188 = tpu.memref_slice %arg2[%add3A, %dma_wait3A_186, %dma_wait3A_187] : memref<32x128x8xi32, #tpu.memory_space<hbm>> -> memref<1x128x8xi32, #tpu.memory_space<hbm>>
      %dma_wait3A_189 = tpu.memref_squeeze %dma_wait3A_188 : memref<1x128x8xi32, #tpu.memory_space<hbm>> -> memref<128x8xi32, #tpu.memory_space<hbm>>
      tpu.wait_dma2 semaphore(%run_scoped3A : memref<!tpu.dma_semaphore, #tpu.memory_space<semaphore_mem>>) src(%dma_wait3A_189 : memref<128x8xi32, #tpu.memory_space<hbm>>) dst(%arg5 : memref<128x8xi32, #tpu.memory_space<vmem>>)
      tpu.yield
    }) : () -> ()
    %dma_start3A = arith.constant 0 : i32
    %dma_start3A_3 = arith.constant 0 : i32
    %dma_start3A_4 = tpu.memref_slice %arg5[%dma_start3A, %dma_start3A_3] : memref<128x8xi32, #tpu.memory_space<vmem>> -> memref<1x8xi32, #tpu.memory_space<vmem>>
    %dma_start3A_5 = tpu.memref_squeeze %dma_start3A_4 : memref<1x8xi32, #tpu.memory_space<vmem>> -> memref<8xi32, #tpu.memory_space<vmem>>
    %dma_start3A_6 = arith.constant 0 : i32
    %dma_start3A_7 = arith.constant 0 : i32
    %dma_start3A_8 = tpu.memref_slice %arg3[%dma_start3A_6, %dma_start3A_7] : memref<8192x2048xf32, #tpu.memory_space<hbm>> -> memref<8192x2048xf32, #tpu.memory_space<hbm>>
    tpu.enqueue_indirect_dma source(%dma_start3A_8 : memref<8192x2048xf32, #tpu.memory_space<hbm>>) target(%arg6 : memref<8x2048xf32, #tpu.memory_space<vmem>>) offsets(%dma_start3A_5 : memref<8xi32, #tpu.memory_space<vmem>>) semaphore(%arg12 : memref<!tpu.dma_semaphore, #tpu.memory_space<semaphore_mem>>)
    %dma_start3A_9 = arith.constant 1 : i32
    %dma_start3A_10 = arith.constant 0 : i32
    %dma_start3A_11 = tpu.memref_slice %arg5[%dma_start3A_9, %dma_start3A_10] : memref<128x8xi32, #tpu.memory_space<vmem>> -> memref<1x8xi32, #tpu.memory_space<vmem>>
    %dma_start3A_12 = tpu.memref_squeeze %dma_start3A_11 : memref<1x8xi32, #tpu.memory_space<vmem>> -> memref<8xi32, #tpu.memory_space<vmem>>
    %dma_start3A_13 = arith.constant 0 : i32
    %dma_start3A_14 = arith.constant 0 : i32
    %dma_start3A_15 = tpu.memref_slice %arg3[%dma_start3A_13, %dma_start3A_14] : memref<8192x2048xf32, #tpu.memory_space<hbm>> -> memref<8192x2048xf32, #tpu.memory_space<hbm>>
    tpu.enqueue_indirect_dma source(%dma_start3A_15 : memref<8192x2048xf32, #tpu.memory_space<hbm>>) target(%arg7 : memref<8x2048xf32, #tpu.memory_space<vmem>>) offsets(%dma_start3A_12 : memref<8xi32, #tpu.memory_space<vmem>>) semaphore(%arg13 : memref<!tpu.dma_semaphore, #tpu.memory_space<semaphore_mem>>)
    %dma_wait3A = arith.constant 0 : i32
    %dma_wait3A_16 = tpu.memref_slice %arg4[%mul3A_2, %dma_wait3A] : memref<32768x2048xf32, #tpu.memory_space<hbm>> -> memref<8x2048xf32, #tpu.memory_space<hbm>>
    %dma_wait3A_17 = arith.constant 0 : i32
    %dma_wait3A_18 = tpu.memref_slice %arg4[%mul3A_2, %dma_wait3A_17] : memref<32768x2048xf32, #tpu.memory_space<hbm>> -> memref<8x2048xf32, #tpu.memory_space<hbm>>
    tpu.wait_dma2 semaphore(%arg12 : memref<!tpu.dma_semaphore, #tpu.memory_space<semaphore_mem>>) src(%dma_wait3A_18 : memref<8x2048xf32, #tpu.memory_space<hbm>>) dst(%arg6 : memref<8x2048xf32, #tpu.memory_space<vmem>>)
    %add3A_19 = arith.constant 0 : i32
    %add3A_20 = arith.addi %mul3A_2, %add3A_19 : i32
    %dma_start3A_21 = arith.constant 0 : i32
    %dma_start3A_22 = tpu.memref_slice %arg4[%add3A_20, %dma_start3A_21] : memref<32768x2048xf32, #tpu.memory_space<hbm>> -> memref<8x2048xf32, #tpu.memory_space<hbm>>
    %dma_start3A_23 = arith.constant 0 : i32
    %dma_start3A_24 = tpu.memref_slice %arg4[%add3A_20, %dma_start3A_23] : memref<32768x2048xf32, #tpu.memory_space<hbm>> -> memref<8x2048xf32, #tpu.memory_space<hbm>>
    tpu.enqueue_dma source(%arg6 : memref<8x2048xf32, #tpu.memory_space<vmem>>) target(%dma_start3A_24 : memref<8x2048xf32, #tpu.memory_space<hbm>>) target_semaphore(%arg18 : memref<!tpu.dma_semaphore, #tpu.memory_space<semaphore_mem>>)
    %dma_start3A_25 = arith.constant 2 : i32
    %dma_start3A_26 = arith.constant 0 : i32
    %dma_start3A_27 = tpu.memref_slice %arg5[%dma_start3A_25, %dma_start3A_26] : memref<128x8xi32, #tpu.memory_space<vmem>> -> memref<1x8xi32, #tpu.memory_space<vmem>>
    %dma_start3A_28 = tpu.memref_squeeze %dma_start3A_27 : memref<1x8xi32, #tpu.memory_space<vmem>> -> memref<8xi32, #tpu.memory_space<vmem>>
    %dma_start3A_29 = arith.constant 0 : i32
    %dma_start3A_30 = arith.constant 0 : i32
    %dma_start3A_31 = tpu.memref_slice %arg3[%dma_start3A_29, %dma_start3A_30] : memref<8192x2048xf32, #tpu.memory_space<hbm>> -> memref<8192x2048xf32, #tpu.memory_space<hbm>>
    tpu.enqueue_indirect_dma source(%dma_start3A_31 : memref<8192x2048xf32, #tpu.memory_space<hbm>>) target(%arg8 : memref<8x2048xf32, #tpu.memory_space<vmem>>) offsets(%dma_start3A_28 : memref<8xi32, #tpu.memory_space<vmem>>) semaphore(%arg14 : memref<!tpu.dma_semaphore, #tpu.memory_space<semaphore_mem>>)
    %dma_wait3A_32 = arith.constant 0 : i32
    %dma_wait3A_33 = tpu.memref_slice %arg4[%mul3A_2, %dma_wait3A_32] : memref<32768x2048xf32, #tpu.memory_space<hbm>> -> memref<8x2048xf32, #tpu.memory_space<hbm>>
    %dma_wait3A_34 = arith.constant 0 : i32
    %dma_wait3A_35 = tpu.memref_slice %arg4[%mul3A_2, %dma_wait3A_34] : memref<32768x2048xf32, #tpu.memory_space<hbm>> -> memref<8x2048xf32, #tpu.memory_space<hbm>>
    tpu.wait_dma2 semaphore(%arg13 : memref<!tpu.dma_semaphore, #tpu.memory_space<semaphore_mem>>) src(%dma_wait3A_35 : memref<8x2048xf32, #tpu.memory_space<hbm>>) dst(%arg7 : memref<8x2048xf32, #tpu.memory_space<vmem>>)
    %add3A_36 = arith.constant 8 : i32
    %add3A_37 = arith.addi %mul3A_2, %add3A_36 : i32
    %dma_start3A_38 = arith.constant 0 : i32
    %dma_start3A_39 = tpu.memref_slice %arg4[%add3A_37, %dma_start3A_38] : memref<32768x2048xf32, #tpu.memory_space<hbm>> -> memref<8x2048xf32, #tpu.memory_space<hbm>>
    %dma_start3A_40 = arith.constant 0 : i32
    %dma_start3A_41 = tpu.memref_slice %arg4[%add3A_37, %dma_start3A_40] : memref<32768x2048xf32, #tpu.memory_space<hbm>> -> memref<8x2048xf32, #tpu.memory_space<hbm>>
    tpu.enqueue_dma source(%arg7 : memref<8x2048xf32, #tpu.memory_space<vmem>>) target(%dma_start3A_41 : memref<8x2048xf32, #tpu.memory_space<hbm>>) target_semaphore(%arg19 : memref<!tpu.dma_semaphore, #tpu.memory_space<semaphore_mem>>)
    %dma_start3A_42 = arith.constant 3 : i32
    %dma_start3A_43 = arith.constant 0 : i32
    %dma_start3A_44 = tpu.memref_slice %arg5[%dma_start3A_42, %dma_start3A_43] : memref<128x8xi32, #tpu.memory_space<vmem>> -> memref<1x8xi32, #tpu.memory_space<vmem>>
    %dma_start3A_45 = tpu.memref_squeeze %dma_start3A_44 : memref<1x8xi32, #tpu.memory_space<vmem>> -> memref<8xi32, #tpu.memory_space<vmem>>
    %dma_start3A_46 = arith.constant 0 : i32
    %dma_start3A_47 = arith.constant 0 : i32
    %dma_start3A_48 = tpu.memref_slice %arg3[%dma_start3A_46, %dma_start3A_47] : memref<8192x2048xf32, #tpu.memory_space<hbm>> -> memref<8192x2048xf32, #tpu.memory_space<hbm>>
    tpu.enqueue_indirect_dma source(%dma_start3A_48 : memref<8192x2048xf32, #tpu.memory_space<hbm>>) target(%arg9 : memref<8x2048xf32, #tpu.memory_space<vmem>>) offsets(%dma_start3A_45 : memref<8xi32, #tpu.memory_space<vmem>>) semaphore(%arg15 : memref<!tpu.dma_semaphore, #tpu.memory_space<semaphore_mem>>)
    %dma_wait3A_49 = arith.constant 0 : i32
    %dma_wait3A_50 = tpu.memref_slice %arg4[%mul3A_2, %dma_wait3A_49] : memref<32768x2048xf32, #tpu.memory_space<hbm>> -> memref<8x2048xf32, #tpu.memory_space<hbm>>
    %dma_wait3A_51 = arith.constant 0 : i32
    %dma_wait3A_52 = tpu.memref_slice %arg4[%mul3A_2, %dma_wait3A_51] : memref<32768x2048xf32, #tpu.memory_space<hbm>> -> memref<8x2048xf32, #tpu.memory_space<hbm>>
    tpu.wait_dma2 semaphore(%arg14 : memref<!tpu.dma_semaphore, #tpu.memory_space<semaphore_mem>>) src(%dma_wait3A_52 : memref<8x2048xf32, #tpu.memory_space<hbm>>) dst(%arg8 : memref<8x2048xf32, #tpu.memory_space<vmem>>)
    %add3A_53 = arith.constant 16 : i32
    %add3A_54 = arith.addi %mul3A_2, %add3A_53 : i32
    %dma_start3A_55 = arith.constant 0 : i32
    %dma_start3A_56 = tpu.memref_slice %arg4[%add3A_54, %dma_start3A_55] : memref<32768x2048xf32, #tpu.memory_space<hbm>> -> memref<8x2048xf32, #tpu.memory_space<hbm>>
    %dma_start3A_57 = arith.constant 0 : i32
    %dma_start3A_58 = tpu.memref_slice %arg4[%add3A_54, %dma_start3A_57] : memref<32768x2048xf32, #tpu.memory_space<hbm>> -> memref<8x2048xf32, #tpu.memory_space<hbm>>
    tpu.enqueue_dma source(%arg8 : memref<8x2048xf32, #tpu.memory_space<vmem>>) target(%dma_start3A_58 : memref<8x2048xf32, #tpu.memory_space<hbm>>) target_semaphore(%arg20 : memref<!tpu.dma_semaphore, #tpu.memory_space<semaphore_mem>>)
    %dma_start3A_59 = arith.constant 4 : i32
    %dma_start3A_60 = arith.constant 0 : i32
    %dma_start3A_61 = tpu.memref_slice %arg5[%dma_start3A_59, %dma_start3A_60] : memref<128x8xi32, #tpu.memory_space<vmem>> -> memref<1x8xi32, #tpu.memory_space<vmem>>
    %dma_start3A_62 = tpu.memref_squeeze %dma_start3A_61 : memref<1x8xi32, #tpu.memory_space<vmem>> -> memref<8xi32, #tpu.memory_space<vmem>>
    %dma_start3A_63 = arith.constant 0 : i32
    %dma_start3A_64 = arith.constant 0 : i32
    %dma_start3A_65 = tpu.memref_slice %arg3[%dma_start3A_63, %dma_start3A_64] : memref<8192x2048xf32, #tpu.memory_space<hbm>> -> memref<8192x2048xf32, #tpu.memory_space<hbm>>
    tpu.enqueue_indirect_dma source(%dma_start3A_65 : memref<8192x2048xf32, #tpu.memory_space<hbm>>) target(%arg10 : memref<8x2048xf32, #tpu.memory_space<vmem>>) offsets(%dma_start3A_62 : memref<8xi32, #tpu.memory_space<vmem>>) semaphore(%arg16 : memref<!tpu.dma_semaphore, #tpu.memory_space<semaphore_mem>>)
    %dma_wait3A_66 = arith.constant 0 : i32
    %dma_wait3A_67 = tpu.memref_slice %arg4[%mul3A_2, %dma_wait3A_66] : memref<32768x2048xf32, #tpu.memory_space<hbm>> -> memref<8x2048xf32, #tpu.memory_space<hbm>>
    %dma_wait3A_68 = arith.constant 0 : i32
    %dma_wait3A_69 = tpu.memref_slice %arg4[%mul3A_2, %dma_wait3A_68] : memref<32768x2048xf32, #tpu.memory_space<hbm>> -> memref<8x2048xf32, #tpu.memory_space<hbm>>
    tpu.wait_dma2 semaphore(%arg15 : memref<!tpu.dma_semaphore, #tpu.memory_space<semaphore_mem>>) src(%dma_wait3A_69 : memref<8x2048xf32, #tpu.memory_space<hbm>>) dst(%arg9 : memref<8x2048xf32, #tpu.memory_space<vmem>>)
    %add3A_70 = arith.constant 24 : i32
    %add3A_71 = arith.addi %mul3A_2, %add3A_70 : i32
    %dma_start3A_72 = arith.constant 0 : i32
    %dma_start3A_73 = tpu.memref_slice %arg4[%add3A_71, %dma_start3A_72] : memref<32768x2048xf32, #tpu.memory_space<hbm>> -> memref<8x2048xf32, #tpu.memory_space<hbm>>
    %dma_start3A_74 = arith.constant 0 : i32
    %dma_start3A_75 = tpu.memref_slice %arg4[%add3A_71, %dma_start3A_74] : memref<32768x2048xf32, #tpu.memory_space<hbm>> -> memref<8x2048xf32, #tpu.memory_space<hbm>>
    tpu.enqueue_dma source(%arg9 : memref<8x2048xf32, #tpu.memory_space<vmem>>) target(%dma_start3A_75 : memref<8x2048xf32, #tpu.memory_space<hbm>>) target_semaphore(%arg21 : memref<!tpu.dma_semaphore, #tpu.memory_space<semaphore_mem>>)
    %dma_start3A_76 = arith.constant 5 : i32
    %dma_start3A_77 = arith.constant 0 : i32
    %dma_start3A_78 = tpu.memref_slice %arg5[%dma_start3A_76, %dma_start3A_77] : memref<128x8xi32, #tpu.memory_space<vmem>> -> memref<1x8xi32, #tpu.memory_space<vmem>>
    %dma_start3A_79 = tpu.memref_squeeze %dma_start3A_78 : memref<1x8xi32, #tpu.memory_space<vmem>> -> memref<8xi32, #tpu.memory_space<vmem>>
    %dma_start3A_80 = arith.constant 0 : i32
    %dma_start3A_81 = arith.constant 0 : i32
    %dma_start3A_82 = tpu.memref_slice %arg3[%dma_start3A_80, %dma_start3A_81] : memref<8192x2048xf32, #tpu.memory_space<hbm>> -> memref<8192x2048xf32, #tpu.memory_space<hbm>>
    tpu.enqueue_indirect_dma source(%dma_start3A_82 : memref<8192x2048xf32, #tpu.memory_space<hbm>>) target(%arg11 : memref<8x2048xf32, #tpu.memory_space<vmem>>) offsets(%dma_start3A_79 : memref<8xi32, #tpu.memory_space<vmem>>) semaphore(%arg17 : memref<!tpu.dma_semaphore, #tpu.memory_space<semaphore_mem>>)
    %dma_wait3A_83 = arith.constant 0 : i32
    %dma_wait3A_84 = tpu.memref_slice %arg4[%mul3A_2, %dma_wait3A_83] : memref<32768x2048xf32, #tpu.memory_space<hbm>> -> memref<8x2048xf32, #tpu.memory_space<hbm>>
    %dma_wait3A_85 = arith.constant 0 : i32
    %dma_wait3A_86 = tpu.memref_slice %arg4[%mul3A_2, %dma_wait3A_85] : memref<32768x2048xf32, #tpu.memory_space<hbm>> -> memref<8x2048xf32, #tpu.memory_space<hbm>>
    tpu.wait_dma2 semaphore(%arg16 : memref<!tpu.dma_semaphore, #tpu.memory_space<semaphore_mem>>) src(%dma_wait3A_86 : memref<8x2048xf32, #tpu.memory_space<hbm>>) dst(%arg10 : memref<8x2048xf32, #tpu.memory_space<vmem>>)
    %add3A_87 = arith.constant 32 : i32
    %add3A_88 = arith.addi %mul3A_2, %add3A_87 : i32
    %dma_start3A_89 = arith.constant 0 : i32
    %dma_start3A_90 = tpu.memref_slice %arg4[%add3A_88, %dma_start3A_89] : memref<32768x2048xf32, #tpu.memory_space<hbm>> -> memref<8x2048xf32, #tpu.memory_space<hbm>>
    %dma_start3A_91 = arith.constant 0 : i32
    %dma_start3A_92 = tpu.memref_slice %arg4[%add3A_88, %dma_start3A_91] : memref<32768x2048xf32, #tpu.memory_space<hbm>> -> memref<8x2048xf32, #tpu.memory_space<hbm>>
    tpu.enqueue_dma source(%arg10 : memref<8x2048xf32, #tpu.memory_space<vmem>>) target(%dma_start3A_92 : memref<8x2048xf32, #tpu.memory_space<hbm>>) target_semaphore(%arg22 : memref<!tpu.dma_semaphore, #tpu.memory_space<semaphore_mem>>)
    %dma_wait3A_93 = arith.constant 0 : i32
    %dma_wait3A_94 = tpu.memref_slice %arg4[%mul3A_2, %dma_wait3A_93] : memref<32768x2048xf32, #tpu.memory_space<hbm>> -> memref<8x2048xf32, #tpu.memory_space<hbm>>
    %dma_wait3A_95 = arith.constant 0 : i32
    %dma_wait3A_96 = tpu.memref_slice %arg4[%mul3A_2, %dma_wait3A_95] : memref<32768x2048xf32, #tpu.memory_space<hbm>> -> memref<8x2048xf32, #tpu.memory_space<hbm>>
    tpu.wait_dma2 semaphore(%arg18 : memref<!tpu.dma_semaphore, #tpu.memory_space<semaphore_mem>>) src(%arg6 : memref<8x2048xf32, #tpu.memory_space<vmem>>) dst(%dma_wait3A_96 : memref<8x2048xf32, #tpu.memory_space<hbm>>)
    %dma_start3A_97 = arith.constant 6 : i32
    %dma_start3A_98 = arith.constant 0 : i32
    %dma_start3A_99 = tpu.memref_slice %arg5[%dma_start3A_97, %dma_start3A_98] : memref<128x8xi32, #tpu.memory_space<vmem>> -> memref<1x8xi32, #tpu.memory_space<vmem>>
    %dma_start3A_100 = tpu.memref_squeeze %dma_start3A_99 : memref<1x8xi32, #tpu.memory_space<vmem>> -> memref<8xi32, #tpu.memory_space<vmem>>
    %dma_start3A_101 = arith.constant 0 : i32
    %dma_start3A_102 = arith.constant 0 : i32
    %dma_start3A_103 = tpu.memref_slice %arg3[%dma_start3A_101, %dma_start3A_102] : memref<8192x2048xf32, #tpu.memory_space<hbm>> -> memref<8192x2048xf32, #tpu.memory_space<hbm>>
    tpu.enqueue_indirect_dma source(%dma_start3A_103 : memref<8192x2048xf32, #tpu.memory_space<hbm>>) target(%arg6 : memref<8x2048xf32, #tpu.memory_space<vmem>>) offsets(%dma_start3A_100 : memref<8xi32, #tpu.memory_space<vmem>>) semaphore(%arg12 : memref<!tpu.dma_semaphore, #tpu.memory_space<semaphore_mem>>)
    %dma_wait3A_104 = arith.constant 0 : i32
    %dma_wait3A_105 = tpu.memref_slice %arg4[%mul3A_2, %dma_wait3A_104] : memref<32768x2048xf32, #tpu.memory_space<hbm>> -> memref<8x2048xf32, #tpu.memory_space<hbm>>
    %dma_wait3A_106 = arith.constant 0 : i32
    %dma_wait3A_107 = tpu.memref_slice %arg4[%mul3A_2, %dma_wait3A_106] : memref<32768x2048xf32, #tpu.memory_space<hbm>> -> memref<8x2048xf32, #tpu.memory_space<hbm>>
    tpu.wait_dma2 semaphore(%arg17 : memref<!tpu.dma_semaphore, #tpu.memory_space<semaphore_mem>>) src(%dma_wait3A_107 : memref<8x2048xf32, #tpu.memory_space<hbm>>) dst(%arg11 : memref<8x2048xf32, #tpu.memory_space<vmem>>)
    %add3A_108 = arith.constant 40 : i32
    %add3A_109 = arith.addi %mul3A_2, %add3A_108 : i32
    %dma_start3A_110 = arith.constant 0 : i32
    %dma_start3A_111 = tpu.memref_slice %arg4[%add3A_109, %dma_start3A_110] : memref<32768x2048xf32, #tpu.memory_space<hbm>> -> memref<8x2048xf32, #tpu.memory_space<hbm>>
    %dma_start3A_112 = arith.constant 0 : i32
    %dma_start3A_113 = tpu.memref_slice %arg4[%add3A_109, %dma_start3A_112] : memref<32768x2048xf32, #tpu.memory_space<hbm>> -> memref<8x2048xf32, #tpu.memory_space<hbm>>
    tpu.enqueue_dma source(%arg11 : memref<8x2048xf32, #tpu.memory_space<vmem>>) target(%dma_start3A_113 : memref<8x2048xf32, #tpu.memory_space<hbm>>) target_semaphore(%arg23 : memref<!tpu.dma_semaphore, #tpu.memory_space<semaphore_mem>>)
    %dma_wait3A_114 = arith.constant 0 : i32
    %dma_wait3A_115 = tpu.memref_slice %arg4[%mul3A_2, %dma_wait3A_114] : memref<32768x2048xf32, #tpu.memory_space<hbm>> -> memref<8x2048xf32, #tpu.memory_space<hbm>>
    %dma_wait3A_116 = arith.constant 0 : i32
    %dma_wait3A_117 = tpu.memref_slice %arg4[%mul3A_2, %dma_wait3A_116] : memref<32768x2048xf32, #tpu.memory_space<hbm>> -> memref<8x2048xf32, #tpu.memory_space<hbm>>
    tpu.wait_dma2 semaphore(%arg19 : memref<!tpu.dma_semaphore, #tpu.memory_space<semaphore_mem>>) src(%arg7 : memref<8x2048xf32, #tpu.memory_space<vmem>>) dst(%dma_wait3A_117 : memref<8x2048xf32, #tpu.memory_space<hbm>>)
    %dma_start3A_118 = arith.constant 7 : i32
    %dma_start3A_119 = arith.constant 0 : i32
    %dma_start3A_120 = tpu.memref_slice %arg5[%dma_start3A_118, %dma_start3A_119] : memref<128x8xi32, #tpu.memory_space<vmem>> -> memref<1x8xi32, #tpu.memory_space<vmem>>
    %dma_start3A_121 = tpu.memref_squeeze %dma_start3A_120 : memref<1x8xi32, #tpu.memory_space<vmem>> -> memref<8xi32, #tpu.memory_space<vmem>>
    %dma_start3A_122 = arith.constant 0 : i32
    %dma_start3A_123 = arith.constant 0 : i32
    %dma_start3A_124 = tpu.memref_slice %arg3[%dma_start3A_122, %dma_start3A_123] : memref<8192x2048xf32, #tpu.memory_space<hbm>> -> memref<8192x2048xf32, #tpu.memory_space<hbm>>
    tpu.enqueue_indirect_dma source(%dma_start3A_124 : memref<8192x2048xf32, #tpu.memory_space<hbm>>) target(%arg7 : memref<8x2048xf32, #tpu.memory_space<vmem>>) offsets(%dma_start3A_121 : memref<8xi32, #tpu.memory_space<vmem>>) semaphore(%arg13 : memref<!tpu.dma_semaphore, #tpu.memory_space<semaphore_mem>>)
    %scan3A = arith.constant 0 : i32
    %scan3A_125 = arith.constant 1 : i32
    %scan3A_126 = arith.constant 20 : i32
    %scan3A_127 = arith.addi %scan3A_125, %scan3A_126 : i32
    %scan3A_128 = arith.constant 1 : i32
    scf.for %scan3A_174 = %scan3A_125 to %scan3A_127 step %scan3A_128  : i32 {
      %mul3A_175 = arith.constant 6 : i32
      %mul3A_176 = arith.muli %scan3A_174, %mul3A_175 : i32
      %add3A_177 = arith.constant 0 : i32
      %add3A_178 = arith.addi %mul3A_176, %add3A_177 : i32
      %dma_wait3A_179 = arith.constant 0 : i32
      %dma_wait3A_180 = tpu.memref_slice %arg4[%mul3A_2, %dma_wait3A_179] : memref<32768x2048xf32, #tpu.memory_space<hbm>> -> memref<8x2048xf32, #tpu.memory_space<hbm>>
      %dma_wait3A_181 = arith.constant 0 : i32
      %dma_wait3A_182 = tpu.memref_slice %arg4[%mul3A_2, %dma_wait3A_181] : memref<32768x2048xf32, #tpu.memory_space<hbm>> -> memref<8x2048xf32, #tpu.memory_space<hbm>>
      tpu.wait_dma2 semaphore(%arg12 : memref<!tpu.dma_semaphore, #tpu.memory_space<semaphore_mem>>) src(%dma_wait3A_182 : memref<8x2048xf32, #tpu.memory_space<hbm>>) dst(%arg6 : memref<8x2048xf32, #tpu.memory_space<vmem>>)
      %mul3A_183 = arith.constant 8 : i32
      %mul3A_184 = arith.muli %add3A_178, %mul3A_183 : i32
      %add3A_185 = arith.addi %mul3A_2, %mul3A_184 : i32
      %dma_start3A_186 = arith.constant 0 : i32
      %dma_start3A_187 = tpu.memref_slice %arg4[%add3A_185, %dma_start3A_186] : memref<32768x2048xf32, #tpu.memory_space<hbm>> -> memref<8x2048xf32, #tpu.memory_space<hbm>>
      %dma_start3A_188 = arith.constant 0 : i32
      %dma_start3A_189 = tpu.memref_slice %arg4[%add3A_185, %dma_start3A_188] : memref<32768x2048xf32, #tpu.memory_space<hbm>> -> memref<8x2048xf32, #tpu.memory_space<hbm>>
      tpu.enqueue_dma source(%arg6 : memref<8x2048xf32, #tpu.memory_space<vmem>>) target(%dma_start3A_189 : memref<8x2048xf32, #tpu.memory_space<hbm>>) target_semaphore(%arg18 : memref<!tpu.dma_semaphore, #tpu.memory_space<semaphore_mem>>)
      %dma_wait3A_190 = arith.constant 0 : i32
      %dma_wait3A_191 = tpu.memref_slice %arg4[%mul3A_2, %dma_wait3A_190] : memref<32768x2048xf32, #tpu.memory_space<hbm>> -> memref<8x2048xf32, #tpu.memory_space<hbm>>
      %dma_wait3A_192 = arith.constant 0 : i32
      %dma_wait3A_193 = tpu.memref_slice %arg4[%mul3A_2, %dma_wait3A_192] : memref<32768x2048xf32, #tpu.memory_space<hbm>> -> memref<8x2048xf32, #tpu.memory_space<hbm>>
      tpu.wait_dma2 semaphore(%arg20 : memref<!tpu.dma_semaphore, #tpu.memory_space<semaphore_mem>>) src(%arg8 : memref<8x2048xf32, #tpu.memory_space<vmem>>) dst(%dma_wait3A_193 : memref<8x2048xf32, #tpu.memory_space<hbm>>)
      %add3A_194 = arith.constant 6 : i32
      %add3A_195 = arith.addi %add3A_178, %add3A_194 : i32
      %sub3A = arith.constant 4 : i32
      %sub3A_196 = arith.subi %add3A_195, %sub3A : i32
      %lt3A = arith.constant 128 : i32
      %lt3A_197 = arith.cmpi slt, %sub3A_196, %lt3A : i32
      %convert_element_type3A = arith.extui %lt3A_197 : i1 to i32
      %cond3A = arith.constant 0 : i32
      %cond3A_198 = arith.cmpi ne, %convert_element_type3A, %cond3A : i32
      scf.if %cond3A_198 {
        %add3A_329 = arith.constant 6 : i32
        %add3A_330 = arith.addi %add3A_178, %add3A_329 : i32
        %sub3A_331 = arith.constant 4 : i32
        %sub3A_332 = arith.subi %add3A_330, %sub3A_331 : i32
        %dma_start3A_333 = arith.constant 0 : i32
        %dma_start3A_334 = tpu.memref_slice %arg5[%sub3A_332, %dma_start3A_333] : memref<128x8xi32, #tpu.memory_space<vmem>> -> memref<1x8xi32, #tpu.memory_space<vmem>>
        %dma_start3A_335 = tpu.memref_squeeze %dma_start3A_334 : memref<1x8xi32, #tpu.memory_space<vmem>> -> memref<8xi32, #tpu.memory_space<vmem>>
        %dma_start3A_336 = arith.constant 0 : i32
        %dma_start3A_337 = arith.constant 0 : i32
        %dma_start3A_338 = tpu.memref_slice %arg3[%dma_start3A_336, %dma_start3A_337] : memref<8192x2048xf32, #tpu.memory_space<hbm>> -> memref<8192x2048xf32, #tpu.memory_space<hbm>>
        tpu.enqueue_indirect_dma source(%dma_start3A_338 : memref<8192x2048xf32, #tpu.memory_space<hbm>>) target(%arg8 : memref<8x2048xf32, #tpu.memory_space<vmem>>) offsets(%dma_start3A_335 : memref<8xi32, #tpu.memory_space<vmem>>) semaphore(%arg14 : memref<!tpu.dma_semaphore, #tpu.memory_space<semaphore_mem>>)
      } else {
      }
      %add3A_199 = arith.constant 1 : i32
      %add3A_200 = arith.addi %mul3A_176, %add3A_199 : i32
      %dma_wait3A_201 = arith.constant 0 : i32
      %dma_wait3A_202 = tpu.memref_slice %arg4[%mul3A_2, %dma_wait3A_201] : memref<32768x2048xf32, #tpu.memory_space<hbm>> -> memref<8x2048xf32, #tpu.memory_space<hbm>>
      %dma_wait3A_203 = arith.constant 0 : i32
      %dma_wait3A_204 = tpu.memref_slice %arg4[%mul3A_2, %dma_wait3A_203] : memref<32768x2048xf32, #tpu.memory_space<hbm>> -> memref<8x2048xf32, #tpu.memory_space<hbm>>
      tpu.wait_dma2 semaphore(%arg13 : memref<!tpu.dma_semaphore, #tpu.memory_space<semaphore_mem>>) src(%dma_wait3A_204 : memref<8x2048xf32, #tpu.memory_space<hbm>>) dst(%arg7 : memref<8x2048xf32, #tpu.memory_space<vmem>>)
      %mul3A_205 = arith.constant 8 : i32
      %mul3A_206 = arith.muli %add3A_200, %mul3A_205 : i32
      %add3A_207 = arith.addi %mul3A_2, %mul3A_206 : i32
      %dma_start3A_208 = arith.constant 0 : i32
      %dma_start3A_209 = tpu.memref_slice %arg4[%add3A_207, %dma_start3A_208] : memref<32768x2048xf32, #tpu.memory_space<hbm>> -> memref<8x2048xf32, #tpu.memory_space<hbm>>
      %dma_start3A_210 = arith.constant 0 : i32
      %dma_start3A_211 = tpu.memref_slice %arg4[%add3A_207, %dma_start3A_210] : memref<32768x2048xf32, #tpu.memory_space<hbm>> -> memref<8x2048xf32, #tpu.memory_space<hbm>>
      tpu.enqueue_dma source(%arg7 : memref<8x2048xf32, #tpu.memory_space<vmem>>) target(%dma_start3A_211 : memref<8x2048xf32, #tpu.memory_space<hbm>>) target_semaphore(%arg19 : memref<!tpu.dma_semaphore, #tpu.memory_space<semaphore_mem>>)
      %dma_wait3A_212 = arith.constant 0 : i32
      %dma_wait3A_213 = tpu.memref_slice %arg4[%mul3A_2, %dma_wait3A_212] : memref<32768x2048xf32, #tpu.memory_space<hbm>> -> memref<8x2048xf32, #tpu.memory_space<hbm>>
      %dma_wait3A_214 = arith.constant 0 : i32
      %dma_wait3A_215 = tpu.memref_slice %arg4[%mul3A_2, %dma_wait3A_214] : memref<32768x2048xf32, #tpu.memory_space<hbm>> -> memref<8x2048xf32, #tpu.memory_space<hbm>>
      tpu.wait_dma2 semaphore(%arg21 : memref<!tpu.dma_semaphore, #tpu.memory_space<semaphore_mem>>) src(%arg9 : memref<8x2048xf32, #tpu.memory_space<vmem>>) dst(%dma_wait3A_215 : memref<8x2048xf32, #tpu.memory_space<hbm>>)
      %add3A_216 = arith.constant 6 : i32
      %add3A_217 = arith.addi %add3A_200, %add3A_216 : i32
      %sub3A_218 = arith.constant 4 : i32
      %sub3A_219 = arith.subi %add3A_217, %sub3A_218 : i32
      %lt3A_220 = arith.constant 128 : i32
      %lt3A_221 = arith.cmpi slt, %sub3A_219, %lt3A_220 : i32
      %convert_element_type3A_222 = arith.extui %lt3A_221 : i1 to i32
      %cond3A_223 = arith.constant 0 : i32
      %cond3A_224 = arith.cmpi ne, %convert_element_type3A_222, %cond3A_223 : i32
      scf.if %cond3A_224 {
        %add3A_329 = arith.constant 6 : i32
        %add3A_330 = arith.addi %add3A_200, %add3A_329 : i32
        %sub3A_331 = arith.constant 4 : i32
        %sub3A_332 = arith.subi %add3A_330, %sub3A_331 : i32
        %dma_start3A_333 = arith.constant 0 : i32
        %dma_start3A_334 = tpu.memref_slice %arg5[%sub3A_332, %dma_start3A_333] : memref<128x8xi32, #tpu.memory_space<vmem>> -> memref<1x8xi32, #tpu.memory_space<vmem>>
        %dma_start3A_335 = tpu.memref_squeeze %dma_start3A_334 : memref<1x8xi32, #tpu.memory_space<vmem>> -> memref<8xi32, #tpu.memory_space<vmem>>
        %dma_start3A_336 = arith.constant 0 : i32
        %dma_start3A_337 = arith.constant 0 : i32
        %dma_start3A_338 = tpu.memref_slice %arg3[%dma_start3A_336, %dma_start3A_337] : memref<8192x2048xf32, #tpu.memory_space<hbm>> -> memref<8192x2048xf32, #tpu.memory_space<hbm>>
        tpu.enqueue_indirect_dma source(%dma_start3A_338 : memref<8192x2048xf32, #tpu.memory_space<hbm>>) target(%arg9 : memref<8x2048xf32, #tpu.memory_space<vmem>>) offsets(%dma_start3A_335 : memref<8xi32, #tpu.memory_space<vmem>>) semaphore(%arg15 : memref<!tpu.dma_semaphore, #tpu.memory_space<semaphore_mem>>)
      } else {
      }
      %add3A_225 = arith.constant 2 : i32
      %add3A_226 = arith.addi %mul3A_176, %add3A_225 : i32
      %dma_wait3A_227 = arith.constant 0 : i32
      %dma_wait3A_228 = tpu.memref_slice %arg4[%mul3A_2, %dma_wait3A_227] : memref<32768x2048xf32, #tpu.memory_space<hbm>> -> memref<8x2048xf32, #tpu.memory_space<hbm>>
      %dma_wait3A_229 = arith.constant 0 : i32
      %dma_wait3A_230 = tpu.memref_slice %arg4[%mul3A_2, %dma_wait3A_229] : memref<32768x2048xf32, #tpu.memory_space<hbm>> -> memref<8x2048xf32, #tpu.memory_space<hbm>>
      tpu.wait_dma2 semaphore(%arg14 : memref<!tpu.dma_semaphore, #tpu.memory_space<semaphore_mem>>) src(%dma_wait3A_230 : memref<8x2048xf32, #tpu.memory_space<hbm>>) dst(%arg8 : memref<8x2048xf32, #tpu.memory_space<vmem>>)
      %mul3A_231 = arith.constant 8 : i32
      %mul3A_232 = arith.muli %add3A_226, %mul3A_231 : i32
      %add3A_233 = arith.addi %mul3A_2, %mul3A_232 : i32
      %dma_start3A_234 = arith.constant 0 : i32
      %dma_start3A_235 = tpu.memref_slice %arg4[%add3A_233, %dma_start3A_234] : memref<32768x2048xf32, #tpu.memory_space<hbm>> -> memref<8x2048xf32, #tpu.memory_space<hbm>>
      %dma_start3A_236 = arith.constant 0 : i32
      %dma_start3A_237 = tpu.memref_slice %arg4[%add3A_233, %dma_start3A_236] : memref<32768x2048xf32, #tpu.memory_space<hbm>> -> memref<8x2048xf32, #tpu.memory_space<hbm>>
      tpu.enqueue_dma source(%arg8 : memref<8x2048xf32, #tpu.memory_space<vmem>>) target(%dma_start3A_237 : memref<8x2048xf32, #tpu.memory_space<hbm>>) target_semaphore(%arg20 : memref<!tpu.dma_semaphore, #tpu.memory_space<semaphore_mem>>)
      %dma_wait3A_238 = arith.constant 0 : i32
      %dma_wait3A_239 = tpu.memref_slice %arg4[%mul3A_2, %dma_wait3A_238] : memref<32768x2048xf32, #tpu.memory_space<hbm>> -> memref<8x2048xf32, #tpu.memory_space<hbm>>
      %dma_wait3A_240 = arith.constant 0 : i32
      %dma_wait3A_241 = tpu.memref_slice %arg4[%mul3A_2, %dma_wait3A_240] : memref<32768x2048xf32, #tpu.memory_space<hbm>> -> memref<8x2048xf32, #tpu.memory_space<hbm>>
      tpu.wait_dma2 semaphore(%arg22 : memref<!tpu.dma_semaphore, #tpu.memory_space<semaphore_mem>>) src(%arg10 : memref<8x2048xf32, #tpu.memory_space<vmem>>) dst(%dma_wait3A_241 : memref<8x2048xf32, #tpu.memory_space<hbm>>)
      %add3A_242 = arith.constant 6 : i32
      %add3A_243 = arith.addi %add3A_226, %add3A_242 : i32
      %sub3A_244 = arith.constant 4 : i32
      %sub3A_245 = arith.subi %add3A_243, %sub3A_244 : i32
      %lt3A_246 = arith.constant 128 : i32
      %lt3A_247 = arith.cmpi slt, %sub3A_245, %lt3A_246 : i32
      %convert_element_type3A_248 = arith.extui %lt3A_247 : i1 to i32
      %cond3A_249 = arith.constant 0 : i32
      %cond3A_250 = arith.cmpi ne, %convert_element_type3A_248, %cond3A_249 : i32
      scf.if %cond3A_250 {
        %add3A_329 = arith.constant 6 : i32
        %add3A_330 = arith.addi %add3A_226, %add3A_329 : i32
        %sub3A_331 = arith.constant 4 : i32
        %sub3A_332 = arith.subi %add3A_330, %sub3A_331 : i32
        %dma_start3A_333 = arith.constant 0 : i32
        %dma_start3A_334 = tpu.memref_slice %arg5[%sub3A_332, %dma_start3A_333] : memref<128x8xi32, #tpu.memory_space<vmem>> -> memref<1x8xi32, #tpu.memory_space<vmem>>
        %dma_start3A_335 = tpu.memref_squeeze %dma_start3A_334 : memref<1x8xi32, #tpu.memory_space<vmem>> -> memref<8xi32, #tpu.memory_space<vmem>>
        %dma_start3A_336 = arith.constant 0 : i32
        %dma_start3A_337 = arith.constant 0 : i32
        %dma_start3A_338 = tpu.memref_slice %arg3[%dma_start3A_336, %dma_start3A_337] : memref<8192x2048xf32, #tpu.memory_space<hbm>> -> memref<8192x2048xf32, #tpu.memory_space<hbm>>
        tpu.enqueue_indirect_dma source(%dma_start3A_338 : memref<8192x2048xf32, #tpu.memory_space<hbm>>) target(%arg10 : memref<8x2048xf32, #tpu.memory_space<vmem>>) offsets(%dma_start3A_335 : memref<8xi32, #tpu.memory_space<vmem>>) semaphore(%arg16 : memref<!tpu.dma_semaphore, #tpu.memory_space<semaphore_mem>>)
      } else {
      }
      %add3A_251 = arith.constant 3 : i32
      %add3A_252 = arith.addi %mul3A_176, %add3A_251 : i32
      %dma_wait3A_253 = arith.constant 0 : i32
      %dma_wait3A_254 = tpu.memref_slice %arg4[%mul3A_2, %dma_wait3A_253] : memref<32768x2048xf32, #tpu.memory_space<hbm>> -> memref<8x2048xf32, #tpu.memory_space<hbm>>
      %dma_wait3A_255 = arith.constant 0 : i32
      %dma_wait3A_256 = tpu.memref_slice %arg4[%mul3A_2, %dma_wait3A_255] : memref<32768x2048xf32, #tpu.memory_space<hbm>> -> memref<8x2048xf32, #tpu.memory_space<hbm>>
      tpu.wait_dma2 semaphore(%arg15 : memref<!tpu.dma_semaphore, #tpu.memory_space<semaphore_mem>>) src(%dma_wait3A_256 : memref<8x2048xf32, #tpu.memory_space<hbm>>) dst(%arg9 : memref<8x2048xf32, #tpu.memory_space<vmem>>)
      %mul3A_257 = arith.constant 8 : i32
      %mul3A_258 = arith.muli %add3A_252, %mul3A_257 : i32
      %add3A_259 = arith.addi %mul3A_2, %mul3A_258 : i32
      %dma_start3A_260 = arith.constant 0 : i32
      %dma_start3A_261 = tpu.memref_slice %arg4[%add3A_259, %dma_start3A_260] : memref<32768x2048xf32, #tpu.memory_space<hbm>> -> memref<8x2048xf32, #tpu.memory_space<hbm>>
      %dma_start3A_262 = arith.constant 0 : i32
      %dma_start3A_263 = tpu.memref_slice %arg4[%add3A_259, %dma_start3A_262] : memref<32768x2048xf32, #tpu.memory_space<hbm>> -> memref<8x2048xf32, #tpu.memory_space<hbm>>
      tpu.enqueue_dma source(%arg9 : memref<8x2048xf32, #tpu.memory_space<vmem>>) target(%dma_start3A_263 : memref<8x2048xf32, #tpu.memory_space<hbm>>) target_semaphore(%arg21 : memref<!tpu.dma_semaphore, #tpu.memory_space<semaphore_mem>>)
      %dma_wait3A_264 = arith.constant 0 : i32
      %dma_wait3A_265 = tpu.memref_slice %arg4[%mul3A_2, %dma_wait3A_264] : memref<32768x2048xf32, #tpu.memory_space<hbm>> -> memref<8x2048xf32, #tpu.memory_space<hbm>>
      %dma_wait3A_266 = arith.constant 0 : i32
      %dma_wait3A_267 = tpu.memref_slice %arg4[%mul3A_2, %dma_wait3A_266] : memref<32768x2048xf32, #tpu.memory_space<hbm>> -> memref<8x2048xf32, #tpu.memory_space<hbm>>
      tpu.wait_dma2 semaphore(%arg23 : memref<!tpu.dma_semaphore, #tpu.memory_space<semaphore_mem>>) src(%arg11 : memref<8x2048xf32, #tpu.memory_space<vmem>>) dst(%dma_wait3A_267 : memref<8x2048xf32, #tpu.memory_space<hbm>>)
      %add3A_268 = arith.constant 6 : i32
      %add3A_269 = arith.addi %add3A_252, %add3A_268 : i32
      %sub3A_270 = arith.constant 4 : i32
      %sub3A_271 = arith.subi %add3A_269, %sub3A_270 : i32
      %lt3A_272 = arith.constant 128 : i32
      %lt3A_273 = arith.cmpi slt, %sub3A_271, %lt3A_272 : i32
      %convert_element_type3A_274 = arith.extui %lt3A_273 : i1 to i32
      %cond3A_275 = arith.constant 0 : i32
      %cond3A_276 = arith.cmpi ne, %convert_element_type3A_274, %cond3A_275 : i32
      scf.if %cond3A_276 {
        %add3A_329 = arith.constant 6 : i32
        %add3A_330 = arith.addi %add3A_252, %add3A_329 : i32
        %sub3A_331 = arith.constant 4 : i32
        %sub3A_332 = arith.subi %add3A_330, %sub3A_331 : i32
        %dma_start3A_333 = arith.constant 0 : i32
        %dma_start3A_334 = tpu.memref_slice %arg5[%sub3A_332, %dma_start3A_333] : memref<128x8xi32, #tpu.memory_space<vmem>> -> memref<1x8xi32, #tpu.memory_space<vmem>>
        %dma_start3A_335 = tpu.memref_squeeze %dma_start3A_334 : memref<1x8xi32, #tpu.memory_space<vmem>> -> memref<8xi32, #tpu.memory_space<vmem>>
        %dma_start3A_336 = arith.constant 0 : i32
        %dma_start3A_337 = arith.constant 0 : i32
        %dma_start3A_338 = tpu.memref_slice %arg3[%dma_start3A_336, %dma_start3A_337] : memref<8192x2048xf32, #tpu.memory_space<hbm>> -> memref<8192x2048xf32, #tpu.memory_space<hbm>>
        tpu.enqueue_indirect_dma source(%dma_start3A_338 : memref<8192x2048xf32, #tpu.memory_space<hbm>>) target(%arg11 : memref<8x2048xf32, #tpu.memory_space<vmem>>) offsets(%dma_start3A_335 : memref<8xi32, #tpu.memory_space<vmem>>) semaphore(%arg17 : memref<!tpu.dma_semaphore, #tpu.memory_space<semaphore_mem>>)
      } else {
      }
      %add3A_277 = arith.constant 4 : i32
      %add3A_278 = arith.addi %mul3A_176, %add3A_277 : i32
      %dma_wait3A_279 = arith.constant 0 : i32
      %dma_wait3A_280 = tpu.memref_slice %arg4[%mul3A_2, %dma_wait3A_279] : memref<32768x2048xf32, #tpu.memory_space<hbm>> -> memref<8x2048xf32, #tpu.memory_space<hbm>>
      %dma_wait3A_281 = arith.constant 0 : i32
      %dma_wait3A_282 = tpu.memref_slice %arg4[%mul3A_2, %dma_wait3A_281] : memref<32768x2048xf32, #tpu.memory_space<hbm>> -> memref<8x2048xf32, #tpu.memory_space<hbm>>
      tpu.wait_dma2 semaphore(%arg16 : memref<!tpu.dma_semaphore, #tpu.memory_space<semaphore_mem>>) src(%dma_wait3A_282 : memref<8x2048xf32, #tpu.memory_space<hbm>>) dst(%arg10 : memref<8x2048xf32, #tpu.memory_space<vmem>>)
      %mul3A_283 = arith.constant 8 : i32
      %mul3A_284 = arith.muli %add3A_278, %mul3A_283 : i32
      %add3A_285 = arith.addi %mul3A_2, %mul3A_284 : i32
      %dma_start3A_286 = arith.constant 0 : i32
      %dma_start3A_287 = tpu.memref_slice %arg4[%add3A_285, %dma_start3A_286] : memref<32768x2048xf32, #tpu.memory_space<hbm>> -> memref<8x2048xf32, #tpu.memory_space<hbm>>
      %dma_start3A_288 = arith.constant 0 : i32
      %dma_start3A_289 = tpu.memref_slice %arg4[%add3A_285, %dma_start3A_288] : memref<32768x2048xf32, #tpu.memory_space<hbm>> -> memref<8x2048xf32, #tpu.memory_space<hbm>>
      tpu.enqueue_dma source(%arg10 : memref<8x2048xf32, #tpu.memory_space<vmem>>) target(%dma_start3A_289 : memref<8x2048xf32, #tpu.memory_space<hbm>>) target_semaphore(%arg22 : memref<!tpu.dma_semaphore, #tpu.memory_space<semaphore_mem>>)
      %dma_wait3A_290 = arith.constant 0 : i32
      %dma_wait3A_291 = tpu.memref_slice %arg4[%mul3A_2, %dma_wait3A_290] : memref<32768x2048xf32, #tpu.memory_space<hbm>> -> memref<8x2048xf32, #tpu.memory_space<hbm>>
      %dma_wait3A_292 = arith.constant 0 : i32
      %dma_wait3A_293 = tpu.memref_slice %arg4[%mul3A_2, %dma_wait3A_292] : memref<32768x2048xf32, #tpu.memory_space<hbm>> -> memref<8x2048xf32, #tpu.memory_space<hbm>>
      tpu.wait_dma2 semaphore(%arg18 : memref<!tpu.dma_semaphore, #tpu.memory_space<semaphore_mem>>) src(%arg6 : memref<8x2048xf32, #tpu.memory_space<vmem>>) dst(%dma_wait3A_293 : memref<8x2048xf32, #tpu.memory_space<hbm>>)
      %add3A_294 = arith.constant 6 : i32
      %add3A_295 = arith.addi %add3A_278, %add3A_294 : i32
      %sub3A_296 = arith.constant 4 : i32
      %sub3A_297 = arith.subi %add3A_295, %sub3A_296 : i32
      %lt3A_298 = arith.constant 128 : i32
      %lt3A_299 = arith.cmpi slt, %sub3A_297, %lt3A_298 : i32
      %convert_element_type3A_300 = arith.extui %lt3A_299 : i1 to i32
      %cond3A_301 = arith.constant 0 : i32
      %cond3A_302 = arith.cmpi ne, %convert_element_type3A_300, %cond3A_301 : i32
      scf.if %cond3A_302 {
        %add3A_329 = arith.constant 6 : i32
        %add3A_330 = arith.addi %add3A_278, %add3A_329 : i32
        %sub3A_331 = arith.constant 4 : i32
        %sub3A_332 = arith.subi %add3A_330, %sub3A_331 : i32
        %dma_start3A_333 = arith.constant 0 : i32
        %dma_start3A_334 = tpu.memref_slice %arg5[%sub3A_332, %dma_start3A_333] : memref<128x8xi32, #tpu.memory_space<vmem>> -> memref<1x8xi32, #tpu.memory_space<vmem>>
        %dma_start3A_335 = tpu.memref_squeeze %dma_start3A_334 : memref<1x8xi32, #tpu.memory_space<vmem>> -> memref<8xi32, #tpu.memory_space<vmem>>
        %dma_start3A_336 = arith.constant 0 : i32
        %dma_start3A_337 = arith.constant 0 : i32
        %dma_start3A_338 = tpu.memref_slice %arg3[%dma_start3A_336, %dma_start3A_337] : memref<8192x2048xf32, #tpu.memory_space<hbm>> -> memref<8192x2048xf32, #tpu.memory_space<hbm>>
        tpu.enqueue_indirect_dma source(%dma_start3A_338 : memref<8192x2048xf32, #tpu.memory_space<hbm>>) target(%arg6 : memref<8x2048xf32, #tpu.memory_space<vmem>>) offsets(%dma_start3A_335 : memref<8xi32, #tpu.memory_space<vmem>>) semaphore(%arg12 : memref<!tpu.dma_semaphore, #tpu.memory_space<semaphore_mem>>)
      } else {
      }
      %add3A_303 = arith.constant 5 : i32
      %add3A_304 = arith.addi %mul3A_176, %add3A_303 : i32
      %dma_wait3A_305 = arith.constant 0 : i32
      %dma_wait3A_306 = tpu.memref_slice %arg4[%mul3A_2, %dma_wait3A_305] : memref<32768x2048xf32, #tpu.memory_space<hbm>> -> memref<8x2048xf32, #tpu.memory_space<hbm>>
      %dma_wait3A_307 = arith.constant 0 : i32
      %dma_wait3A_308 = tpu.memref_slice %arg4[%mul3A_2, %dma_wait3A_307] : memref<32768x2048xf32, #tpu.memory_space<hbm>> -> memref<8x2048xf32, #tpu.memory_space<hbm>>
      tpu.wait_dma2 semaphore(%arg17 : memref<!tpu.dma_semaphore, #tpu.memory_space<semaphore_mem>>) src(%dma_wait3A_308 : memref<8x2048xf32, #tpu.memory_space<hbm>>) dst(%arg11 : memref<8x2048xf32, #tpu.memory_space<vmem>>)
      %mul3A_309 = arith.constant 8 : i32
      %mul3A_310 = arith.muli %add3A_304, %mul3A_309 : i32
      %add3A_311 = arith.addi %mul3A_2, %mul3A_310 : i32
      %dma_start3A_312 = arith.constant 0 : i32
      %dma_start3A_313 = tpu.memref_slice %arg4[%add3A_311, %dma_start3A_312] : memref<32768x2048xf32, #tpu.memory_space<hbm>> -> memref<8x2048xf32, #tpu.memory_space<hbm>>
      %dma_start3A_314 = arith.constant 0 : i32
      %dma_start3A_315 = tpu.memref_slice %arg4[%add3A_311, %dma_start3A_314] : memref<32768x2048xf32, #tpu.memory_space<hbm>> -> memref<8x2048xf32, #tpu.memory_space<hbm>>
      tpu.enqueue_dma source(%arg11 : memref<8x2048xf32, #tpu.memory_space<vmem>>) target(%dma_start3A_315 : memref<8x2048xf32, #tpu.memory_space<hbm>>) target_semaphore(%arg23 : memref<!tpu.dma_semaphore, #tpu.memory_space<semaphore_mem>>)
      %dma_wait3A_316 = arith.constant 0 : i32
      %dma_wait3A_317 = tpu.memref_slice %arg4[%mul3A_2, %dma_wait3A_316] : memref<32768x2048xf32, #tpu.memory_space<hbm>> -> memref<8x2048xf32, #tpu.memory_space<hbm>>
      %dma_wait3A_318 = arith.constant 0 : i32
      %dma_wait3A_319 = tpu.memref_slice %arg4[%mul3A_2, %dma_wait3A_318] : memref<32768x2048xf32, #tpu.memory_space<hbm>> -> memref<8x2048xf32, #tpu.memory_space<hbm>>
      tpu.wait_dma2 semaphore(%arg19 : memref<!tpu.dma_semaphore, #tpu.memory_space<semaphore_mem>>) src(%arg7 : memref<8x2048xf32, #tpu.memory_space<vmem>>) dst(%dma_wait3A_319 : memref<8x2048xf32, #tpu.memory_space<hbm>>)
      %add3A_320 = arith.constant 6 : i32
      %add3A_321 = arith.addi %add3A_304, %add3A_320 : i32
      %sub3A_322 = arith.constant 4 : i32
      %sub3A_323 = arith.subi %add3A_321, %sub3A_322 : i32
      %lt3A_324 = arith.constant 128 : i32
      %lt3A_325 = arith.cmpi slt, %sub3A_323, %lt3A_324 : i32
      %convert_element_type3A_326 = arith.extui %lt3A_325 : i1 to i32
      %cond3A_327 = arith.constant 0 : i32
      %cond3A_328 = arith.cmpi ne, %convert_element_type3A_326, %cond3A_327 : i32
      scf.if %cond3A_328 {
        %add3A_329 = arith.constant 6 : i32
        %add3A_330 = arith.addi %add3A_304, %add3A_329 : i32
        %sub3A_331 = arith.constant 4 : i32
        %sub3A_332 = arith.subi %add3A_330, %sub3A_331 : i32
        %dma_start3A_333 = arith.constant 0 : i32
        %dma_start3A_334 = tpu.memref_slice %arg5[%sub3A_332, %dma_start3A_333] : memref<128x8xi32, #tpu.memory_space<vmem>> -> memref<1x8xi32, #tpu.memory_space<vmem>>
        %dma_start3A_335 = tpu.memref_squeeze %dma_start3A_334 : memref<1x8xi32, #tpu.memory_space<vmem>> -> memref<8xi32, #tpu.memory_space<vmem>>
        %dma_start3A_336 = arith.constant 0 : i32
        %dma_start3A_337 = arith.constant 0 : i32
        %dma_start3A_338 = tpu.memref_slice %arg3[%dma_start3A_336, %dma_start3A_337] : memref<8192x2048xf32, #tpu.memory_space<hbm>> -> memref<8192x2048xf32, #tpu.memory_space<hbm>>
        tpu.enqueue_indirect_dma source(%dma_start3A_338 : memref<8192x2048xf32, #tpu.memory_space<hbm>>) target(%arg7 : memref<8x2048xf32, #tpu.memory_space<vmem>>) offsets(%dma_start3A_335 : memref<8xi32, #tpu.memory_space<vmem>>) semaphore(%arg13 : memref<!tpu.dma_semaphore, #tpu.memory_space<semaphore_mem>>)
      } else {
      }
    }
    %scan3A_129 = arith.constant 20 : i32
    %dma_wait3A_130 = arith.constant 0 : i32
    %dma_wait3A_131 = tpu.memref_slice %arg4[%mul3A_2, %dma_wait3A_130] : memref<32768x2048xf32, #tpu.memory_space<hbm>> -> memref<8x2048xf32, #tpu.memory_space<hbm>>
    %dma_wait3A_132 = arith.constant 0 : i32
    %dma_wait3A_133 = tpu.memref_slice %arg4[%mul3A_2, %dma_wait3A_132] : memref<32768x2048xf32, #tpu.memory_space<hbm>> -> memref<8x2048xf32, #tpu.memory_space<hbm>>
    tpu.wait_dma2 semaphore(%arg12 : memref<!tpu.dma_semaphore, #tpu.memory_space<semaphore_mem>>) src(%dma_wait3A_133 : memref<8x2048xf32, #tpu.memory_space<hbm>>) dst(%arg6 : memref<8x2048xf32, #tpu.memory_space<vmem>>)
    %add3A_134 = arith.constant 1008 : i32
    %add3A_135 = arith.addi %mul3A_2, %add3A_134 : i32
    %dma_start3A_136 = arith.constant 0 : i32
    %dma_start3A_137 = tpu.memref_slice %arg4[%add3A_135, %dma_start3A_136] : memref<32768x2048xf32, #tpu.memory_space<hbm>> -> memref<8x2048xf32, #tpu.memory_space<hbm>>
    %dma_start3A_138 = arith.constant 0 : i32
    %dma_start3A_139 = tpu.memref_slice %arg4[%add3A_135, %dma_start3A_138] : memref<32768x2048xf32, #tpu.memory_space<hbm>> -> memref<8x2048xf32, #tpu.memory_space<hbm>>
    tpu.enqueue_dma source(%arg6 : memref<8x2048xf32, #tpu.memory_space<vmem>>) target(%dma_start3A_139 : memref<8x2048xf32, #tpu.memory_space<hbm>>) target_semaphore(%arg18 : memref<!tpu.dma_semaphore, #tpu.memory_space<semaphore_mem>>)
    %dma_wait3A_140 = arith.constant 0 : i32
    %dma_wait3A_141 = tpu.memref_slice %arg4[%mul3A_2, %dma_wait3A_140] : memref<32768x2048xf32, #tpu.memory_space<hbm>> -> memref<8x2048xf32, #tpu.memory_space<hbm>>
    %dma_wait3A_142 = arith.constant 0 : i32
    %dma_wait3A_143 = tpu.memref_slice %arg4[%mul3A_2, %dma_wait3A_142] : memref<32768x2048xf32, #tpu.memory_space<hbm>> -> memref<8x2048xf32, #tpu.memory_space<hbm>>
    tpu.wait_dma2 semaphore(%arg20 : memref<!tpu.dma_semaphore, #tpu.memory_space<semaphore_mem>>) src(%arg8 : memref<8x2048xf32, #tpu.memory_space<vmem>>) dst(%dma_wait3A_143 : memref<8x2048xf32, #tpu.memory_space<hbm>>)
    %dma_wait3A_144 = arith.constant 0 : i32
    %dma_wait3A_145 = tpu.memref_slice %arg4[%mul3A_2, %dma_wait3A_144] : memref<32768x2048xf32, #tpu.memory_space<hbm>> -> memref<8x2048xf32, #tpu.memory_space<hbm>>
    %dma_wait3A_146 = arith.constant 0 : i32
    %dma_wait3A_147 = tpu.memref_slice %arg4[%mul3A_2, %dma_wait3A_146] : memref<32768x2048xf32, #tpu.memory_space<hbm>> -> memref<8x2048xf32, #tpu.memory_space<hbm>>
    tpu.wait_dma2 semaphore(%arg13 : memref<!tpu.dma_semaphore, #tpu.memory_space<semaphore_mem>>) src(%dma_wait3A_147 : memref<8x2048xf32, #tpu.memory_space<hbm>>) dst(%arg7 : memref<8x2048xf32, #tpu.memory_space<vmem>>)
    %add3A_148 = arith.constant 1016 : i32
    %add3A_149 = arith.addi %mul3A_2, %add3A_148 : i32
    %dma_start3A_150 = arith.constant 0 : i32
    %dma_start3A_151 = tpu.memref_slice %arg4[%add3A_149, %dma_start3A_150] : memref<32768x2048xf32, #tpu.memory_space<hbm>> -> memref<8x2048xf32, #tpu.memory_space<hbm>>
    %dma_start3A_152 = arith.constant 0 : i32
    %dma_start3A_153 = tpu.memref_slice %arg4[%add3A_149, %dma_start3A_152] : memref<32768x2048xf32, #tpu.memory_space<hbm>> -> memref<8x2048xf32, #tpu.memory_space<hbm>>
    tpu.enqueue_dma source(%arg7 : memref<8x2048xf32, #tpu.memory_space<vmem>>) target(%dma_start3A_153 : memref<8x2048xf32, #tpu.memory_space<hbm>>) target_semaphore(%arg19 : memref<!tpu.dma_semaphore, #tpu.memory_space<semaphore_mem>>)
    %dma_wait3A_154 = arith.constant 0 : i32
    %dma_wait3A_155 = tpu.memref_slice %arg4[%mul3A_2, %dma_wait3A_154] : memref<32768x2048xf32, #tpu.memory_space<hbm>> -> memref<8x2048xf32, #tpu.memory_space<hbm>>
    %dma_wait3A_156 = arith.constant 0 : i32
    %dma_wait3A_157 = tpu.memref_slice %arg4[%mul3A_2, %dma_wait3A_156] : memref<32768x2048xf32, #tpu.memory_space<hbm>> -> memref<8x2048xf32, #tpu.memory_space<hbm>>
    tpu.wait_dma2 semaphore(%arg21 : memref<!tpu.dma_semaphore, #tpu.memory_space<semaphore_mem>>) src(%arg9 : memref<8x2048xf32, #tpu.memory_space<vmem>>) dst(%dma_wait3A_157 : memref<8x2048xf32, #tpu.memory_space<hbm>>)
    %dma_wait3A_158 = arith.constant 0 : i32
    %dma_wait3A_159 = tpu.memref_slice %arg4[%mul3A_2, %dma_wait3A_158] : memref<32768x2048xf32, #tpu.memory_space<hbm>> -> memref<8x2048xf32, #tpu.memory_space<hbm>>
    %dma_wait3A_160 = arith.constant 0 : i32
    %dma_wait3A_161 = tpu.memref_slice %arg4[%mul3A_2, %dma_wait3A_160] : memref<32768x2048xf32, #tpu.memory_space<hbm>> -> memref<8x2048xf32, #tpu.memory_space<hbm>>
    tpu.wait_dma2 semaphore(%arg22 : memref<!tpu.dma_semaphore, #tpu.memory_space<semaphore_mem>>) src(%arg10 : memref<8x2048xf32, #tpu.memory_space<vmem>>) dst(%dma_wait3A_161 : memref<8x2048xf32, #tpu.memory_space<hbm>>)
    %dma_wait3A_162 = arith.constant 0 : i32
    %dma_wait3A_163 = tpu.memref_slice %arg4[%mul3A_2, %dma_wait3A_162] : memref<32768x2048xf32, #tpu.memory_space<hbm>> -> memref<8x2048xf32, #tpu.memory_space<hbm>>
    %dma_wait3A_164 = arith.constant 0 : i32
    %dma_wait3A_165 = tpu.memref_slice %arg4[%mul3A_2, %dma_wait3A_164] : memref<32768x2048xf32, #tpu.memory_space<hbm>> -> memref<8x2048xf32, #tpu.memory_space<hbm>>
    tpu.wait_dma2 semaphore(%arg23 : memref<!tpu.dma_semaphore, #tpu.memory_space<semaphore_mem>>) src(%arg11 : memref<8x2048xf32, #tpu.memory_space<vmem>>) dst(%dma_wait3A_165 : memref<8x2048xf32, #tpu.memory_space<hbm>>)
    %dma_wait3A_166 = arith.constant 0 : i32
    %dma_wait3A_167 = tpu.memref_slice %arg4[%mul3A_2, %dma_wait3A_166] : memref<32768x2048xf32, #tpu.memory_space<hbm>> -> memref<8x2048xf32, #tpu.memory_space<hbm>>
    %dma_wait3A_168 = arith.constant 0 : i32
    %dma_wait3A_169 = tpu.memref_slice %arg4[%mul3A_2, %dma_wait3A_168] : memref<32768x2048xf32, #tpu.memory_space<hbm>> -> memref<8x2048xf32, #tpu.memory_space<hbm>>
    tpu.wait_dma2 semaphore(%arg18 : memref<!tpu.dma_semaphore, #tpu.memory_space<semaphore_mem>>) src(%arg6 : memref<8x2048xf32, #tpu.memory_space<vmem>>) dst(%dma_wait3A_169 : memref<8x2048xf32, #tpu.memory_space<hbm>>)
    %dma_wait3A_170 = arith.constant 0 : i32
    %dma_wait3A_171 = tpu.memref_slice %arg4[%mul3A_2, %dma_wait3A_170] : memref<32768x2048xf32, #tpu.memory_space<hbm>> -> memref<8x2048xf32, #tpu.memory_space<hbm>>
    %dma_wait3A_172 = arith.constant 0 : i32
    %dma_wait3A_173 = tpu.memref_slice %arg4[%mul3A_2, %dma_wait3A_172] : memref<32768x2048xf32, #tpu.memory_space<hbm>> -> memref<8x2048xf32, #tpu.memory_space<hbm>>
    tpu.wait_dma2 semaphore(%arg19 : memref<!tpu.dma_semaphore, #tpu.memory_space<semaphore_mem>>) src(%arg7 : memref<8x2048xf32, #tpu.memory_space<vmem>>) dst(%dma_wait3A_173 : memref<8x2048xf32, #tpu.memory_space<hbm>>)
    return
  }
}

module attributes {stable_mosaic.version = 14 : i64} {
  func.func @norm_kernel(%arg0: i32, %arg1: memref<1024x2048xf32, #tpu.memory_space<vmem>>, %arg2: memref<1024x2048xf32, #tpu.memory_space<vmem>>) attributes {dimension_semantics = [#tpu.dimension_semantics<arbitrary>], iteration_bounds = array<i64: 8>, scalar_prefetch = 0 : i64, scratch_operands = 0 : i64, tpu.core_type = #tpu.core_type<tc>, window_params = [{transform_indices = @transform_0, window_bounds = array<i64: 1024, 2048>}, {transform_indices = @transform_1, window_bounds = array<i64: 1024, 2048>}]} {
    %get3A = arith.constant 0 : index
    %get3A_0 = arith.constant 0 : index
    %get3A_1 = vector.load %arg1[%get3A, %get3A_0] : memref<1024x2048xf32, #tpu.memory_space<vmem>>, vector<1024x2048xf32>
    %mul3A = arith.mulf %get3A_1, %get3A_1 : vector<1024x2048xf32>
    %reduce_sum3A = arith.constant dense<0.000000e+00> : vector<1024xf32>
    %reduce_sum3A_2 = vector.multi_reduction <add>, %mul3A, %reduce_sum3A [1] : vector<1024x2048xf32> to vector<1024xf32>
    %broadcast_in_dim3A = vector.shape_cast %reduce_sum3A_2 : vector<1024xf32> to vector<1024x1xf32>
    %max3A = arith.constant 1.000000e-24 : f32
    %max3A_3 = vector.broadcast %max3A : f32 to vector<1024x1xf32>
    %max3A_4 = arith.maximumf %broadcast_in_dim3A, %max3A_3 : vector<1024x1xf32>
    %rsqrt3A = math.rsqrt %max3A_4 : vector<1024x1xf32>
    %mul3A_5 = vector.broadcast %rsqrt3A : vector<1024x1xf32> to vector<1024x2048xf32>
    %mul3A_6 = arith.mulf %get3A_1, %mul3A_5 : vector<1024x2048xf32>
    %swap3A = arith.constant 0 : index
    %swap3A_7 = arith.constant 0 : index
    %swap3A_8 = vector.load %arg2[%swap3A, %swap3A_7] : memref<1024x2048xf32, #tpu.memory_space<vmem>>, vector<1024x2048xf32>
    tpu.vector_store %arg2[%swap3A, %swap3A_7], %mul3A_6 {strides = array<i32>} : memref<1024x2048xf32, #tpu.memory_space<vmem>>, vector<1024x2048xf32>,
    return
  }
  func.func @transform_0(%arg0: i32) -> (i32, i32) {
    %c0_i32 = arith.constant 0 : i32
    %c0_i32_0 = arith.constant 0 : i32
    return %arg0, %c0_i32 : i32, i32
  }
  func.func @transform_1(%arg0: i32) -> (i32, i32) {
    %c0_i32 = arith.constant 0 : i32
    %c0_i32_0 = arith.constant 0 : i32
    return %arg0, %c0_i32 : i32, i32
  }
}

</mosaic_0001>

<sc_bundles>
// kernel: kernel.4.cloned.1.call-start
scs
__scs_entry_jumppad:
0x0: {  	(pc) =	sbr.rel $0x88, $3  }
0x1: {  	(tag) =	ssettag $0x0;
	lr =	simm.s32 $0x1  }
0x2: {  	[smem:$0x3F9F] =	sst lr;
	_ =	strace $0xD0000000  }
0x3: {  	_ = 	snop  }
0x4: {  	_ = 	snop  }
0x5: {  	_ = 	snop  }
0x6: {  	_ = 	snop  }
0x7: {  	_ = 	snop  }
__scs_overlays_trampoline_lowered:
0x8: {  	[smem:$0x3FAE] =	sst s0  }
0x9: {  	[smem:$0x3FAF] =	sst s1  }
0xa: {  	[smem:$0x3FB0] =	sst s2  }
0xb: {  	[smem:$0x3FB1] =	sst s3  }
0xc: {  	[smem:$0x3FB2] =	sst s4  }
0xd: {  	[smem:$0x3FB3] =	sst s5  }
0xe: {  	[smem:$0x3FB4] =	sst s6  }
0xf: {  	[smem:$0x3FB5] =	sst s7  }
0x10: {  	[smem:$0x3FB6] =	sst s8  }
0x11: {  	[smem:$0x3FB7] =	sst s9;
	s0 =	simm.s32 @!p0 $0x0  }
0x12: {  	s1 =	sld [smem:$0x3F9D];
	s0 =	simm.s32 @p0 $0x1  }
0x13: {  	[smem:$0x3FB8] =	sst s0;
	s0 =	simm.s32 @!p1 $0x0  }
0x14: {  	s2 =	sld [smem:$0x3F9C];
	s0 =	simm.s32 @p1 $0x1  }
0x15: {  	[smem:$0x3FB9] =	sst s0;
	s0 =	simm.s32 @!p2 $0x0  }
0x16: {  	s3 =	sld [smem:$0x3FDB];
	s0 =	simm.s32 @p2 $0x1  }
0x17: {  	s4 =	simm.s32 $0x1BF5;
	[smem:$0x3FBB] =	sst s0  }
0x18: {  	s0 =	sld [smem:$0x3F9E];
	_ =	swait.ge [sflag:s4], $0x0  }
0x19: {  	s7 =	sld [smem:$0x3F9F]  }
0x1a: {  	s8 =	sadd.s32 $0xFFFFE003, lr  }
0x1b: {  	s9 =	sadd.s32 $0xFFFFFEF7, lr;
	s5 =	simm.s32 $0xFFFFFFFF;
	p2 =	slt.u32 s8, $0xFFFFF086  }
0x1c: {  	p1 =	slt.u32 s9, $0xF7A;
	s5 =	simm.s32 @!p2 $0x0  }
0x1d: {  	s5 =	simm.s32 @p1 $0x1;
	p0 =	seq.s32 s7, s2  }
0x1e: {  	s7 =	smul.u32 @!p0 $0xF7A, s2;
	p2 =	seq.s32 @!p0 s5, $0x0  }
0x1f: {  	s9 =	smul.u32 $0xF7A, s1;
	s8 =	simm.s32 @!p0 $0x1BF5;
	p2 =	por !p2, p0  }
0x20: {  	[sflag:s8] =	ssyncset.s32 @!p0 $0xFFFFF086;
	s6 =	sadd.s32 @!p0 s3, s7;
	s7 =	simm.s32 @!p0 $0x108  }
0x21: {  	s3 =	sadd.s32 s3, s9;
	s6 =	sadd.s32 @!p0 $0x88, s6;
	s7 =	simm.s32 @p2 $0x1082  }
0x22: {  	[simem:s7], [sflag:s8] =	dma.local @!p0 [hbm:s6], $0xF7A  }
0x23: {  	s9 =	sor.u32 $0xD0000000, s2;
	s6 =	simm.s32 $0x108;
	_ =	swait.ge @!p0 [sflag:s8], $0x0  }
0x24: {  	s3 =	sadd.s32 $0x88, s3;
	s6 =	simm.s32 @!p1 $0x1082;
	[sflag:s4] =	ssyncset.s32 $0xFFFFF086  }
0x25: {  	[simem:s6], [sflag:s4] =	dma.local [hbm:s3], $0xF7A  }
0x26: {  	[smem:$0x3F9F] =	sst s1;
	(tag) =	ssettag s2;
	_ =	strace s9  }
0x27: {  	s1 =	sld [smem:$0x3FAF]  }
0x28: {  	s2 =	sld [smem:$0x3FB0]  }
0x29: {  	s4 =	sld [smem:$0x3FB2]  }
0x2a: {  	p0 =	seq.s32 s5, $0x0;
	s5 =	sld [smem:$0x3FB3]  }
0x2b: {  	s6 =	sld [smem:$0x3FB4]  }
0x2c: {  	s7 =	sld [smem:$0x3FB5]  }
0x2d: {  	s3 =	simm.s32 $0x108;
	s8 =	sld [smem:$0x3FB6]  }
0x2e: {  	s3 =	simm.s32 @!p0 $0x1082;
	s9 =	sld [smem:$0x3FB7]  }
0x2f: {  	lr =	sadd.s32 s0, s3;
	s0 =	sld [smem:$0x3FAE]  }
0x30: {  	s3 =	sld [smem:$0x3FB1]  }
0x31: {  	[smem:$0x3FBA] =	sst s10  }
0x32: {  	s10 =	sld [smem:$0x3FB8];
	_ =	sdelay $0x3  }
0x33: {  	p0 =	seq.s32 s10, $0x1;
	s10 =	sld [smem:$0x3FBA];
	_ =	sdelay $0x3  }
0x34: {  	[smem:$0x3FBA] =	sst s10  }
0x35: {  	s10 =	sld [smem:$0x3FB9];
	_ =	sdelay $0x3  }
0x36: {  	p1 =	seq.s32 s10, $0x1;
	s10 =	sld [smem:$0x3FBA];
	_ =	sdelay $0x3  }
0x37: {  	[smem:$0x3FBA] =	sst s10  }
0x38: {  	s10 =	sld [smem:$0x3FBB]  }
0x39: {  	_ = 	snop;
	(pc) =	sbr.ind lr, $3  }
0x3a: {  	_ = 	snop  }
0x3b: {  	_ = 	snop  }
0x3c: {  	p2 =	seq.s32 s10, $0x1;
	s10 =	sld [smem:$0x3FBA]  }
0x3d: {  	_ =	shalt  }
0x3e: {  	_ =	shalt  }
0x3f: {  	_ =	shalt  }
0x40: {  	_ =	shalt  }
0x41: {  	_ =	shalt  }
0x42: {  	_ =	shalt  }
0x43: {  	_ =	shalt  }
0x44: {  	_ =	shalt  }
0x45: {  	_ =	shalt  }
0x46: {  	_ =	shalt  }
0x47: {  	_ =	shalt  }
0x48: {  	_ =	shalt  }
0x49: {  	_ =	shalt  }
0x4a: {  	_ =	shalt  }
0x4b: {  	_ =	shalt  }
0x4c: {  	_ =	shalt  }
0x4d: {  	_ =	shalt  }
0x4e: {  	_ =	shalt  }
0x4f: {  	_ =	shalt  }
0x50: {  	_ =	shalt  }
0x51: {  	_ =	shalt  }
0x52: {  	_ =	shalt  }
0x53: {  	_ =	shalt  }
0x54: {  	_ =	shalt  }
0x55: {  	_ =	shalt  }
0x56: {  	_ =	shalt  }
0x57: {  	_ =	shalt  }
0x58: {  	_ =	shalt  }
0x59: {  	_ =	shalt  }
0x5a: {  	_ =	shalt  }
0x5b: {  	_ =	shalt  }
0x5c: {  	_ =	shalt  }
0x5d: {  	_ =	shalt  }
0x5e: {  	_ =	shalt  }
0x5f: {  	_ =	shalt  }
0x60: {  	_ =	shalt  }
0x61: {  	_ =	shalt  }
0x62: {  	_ =	shalt  }
0x63: {  	_ =	shalt  }
0x64: {  	_ =	shalt  }
0x65: {  	_ =	shalt  }
0x66: {  	_ =	shalt  }
0x67: {  	_ =	shalt  }
0x68: {  	_ =	shalt  }
0x69: {  	_ =	shalt  }
0x6a: {  	_ =	shalt  }
0x6b: {  	_ =	shalt  }
0x6c: {  	_ =	shalt  }
0x6d: {  	_ =	shalt  }
0x6e: {  	_ =	shalt  }
0x6f: {  	_ =	shalt  }
0x70: {  	_ =	shalt  }
0x71: {  	_ =	shalt  }
0x72: {  	_ =	shalt  }
0x73: {  	_ =	shalt  }
0x74: {  	_ =	shalt  }
0x75: {  	_ =	shalt  }
0x76: {  	_ =	shalt  }
0x77: {  	_ =	shalt  }
0x78: {  	_ =	shalt  }
0x79: {  	_ =	shalt  }
0x7a: {  	_ =	shalt  }
0x7b: {  	_ =	shalt  }
0x7c: {  	_ =	shalt  }
0x7d: {  	_ =	shalt  }
0x7e: {  	_ =	shalt  }
0x7f: {  	_ =	shalt  }
0x80: {  	_ =	shalt  }
0x81: {  	_ =	shalt  }
0x82: {  	_ =	shalt  }
0x83: {  	_ =	shalt  }
0x84: {  	_ =	shalt  }
0x85: {  	_ =	shalt  }
0x86: {  	_ =	shalt  }
0x87: {  	_ =	shalt  }
.Lfunc_end0:
.L_simem_size_0:
called_computation_lowered:
.L_overlay_start_0:
0x88: {  	s2 =	sld [smem:$0x3FD9]  }
0x89: {  	s3 =	sld [smem:$0x3FFE];
	_ =	sdelay $0x1  }
0x8a: {  	s1 =	srdreg.scid  }
0x8b: {  	s0 =	sand.u32 $0x1, s1  }
0x8c: {  	s17 =	sshll.u32 s0, $0xA;
	s2 =	sadd.s32 s3, s2  }
0x8d: {  	s2 =	sadd.s32 s2, s17  }
0x8e: {  	[smem:$0x3FC6] =	sst s2  }
0x8f: {  	_ = 	snop  }
0x90: {  	s2 =	sld [smem:$0x3FD0];
	(tm) =	ssettm $0x1  }
0x91: {  	s18 =	sld [smem:$0x3FFB];
	_ =	sdelay $0x3  }
0x92: {  	_ =	strace s18  }
0x93: {  	s3 =	sld [smem:$0x3FFC];
	_ =	sdelay $0x3  }
0x94: {  	_ =	strace s3  }
0x95: {  	s3 =	sld [smem:$0x3FFD];
	_ =	sdelay $0x3  }
0x96: {  	_ =	strace s3  }
0x97: {  	_ =	strace $0x8FFFFFFF  }
0x98: {  	s19 =	sld [smem:$0x3FDB];
	_ =	sdelay $0x1  }
0x99: {  	s4 =	simm.s32 $_scs_section_size  }
0x9a: {  	s5 =	simm.s32 $_size__tile_overlayer_lowered;
	s6 =	simm.s32 $_tile_overlayer_lowered  }
0x9b: {  	s22 =	simm.s32 $0x1BFF;
	s21 =	sshll.u32 s6, $0x1;
	s3 =	sadd.s32 s4, s19  }
0x9c: {  	s7 =	simm.s32 $0x0;
	s20 =	sshll.u32 s5, $0x1;
	s5 =	sadd.s32 s21, s3  }
0x9d: {  	[timem:s7], [sflag:s22] =	dma.local [hbm:s5], s20  }
0x9e: {  	_ =	swait.ge [sflag:s22], s20  }
0x9f: {  	s4 =	ssub.s32 $0x0, s20;
	[sflag:s22] =	ssyncset.done $0x0  }
0xa0: {  	[sflag:s22] =	ssyncadd.s32 s4;
	_ =	sdelay $0x1  }
0xa1: {  	s23 =	simm.s32 $0x1B8B  }
0xa2: {  	_ =	swait.ge [sflag:s23], $0x1  }
0xa3: {  	[sflag:s23] =	ssyncset.done $0x0  }
0xa4: {  	s25 =	simm.s32 $0x1B8E;
	s24 =	sld [smem:$0x3FFE];
	[sflag:s23] =	ssyncadd.s32 $0xFFFFFFFF  }
0xa5: {  	s26 =	simm.s32 $execute0_lowered;
	[smem:$0x3FD2] =	sst s25  }
0xa6: {  	s5 =	sshll.u32 s26, $0x1;
	_ =	strace $0x80000046;
	[dreg:$0x1] =	wrdreg $0xFFFFFFFF  }
0xa7: {  	s28 =	simm.s32 $_size_execute0_lowered;
	s3 =	sadd.s32 s3, s5;
	[dreg:$0x0] =	wrdreg $0x0  }
0xa8: {  	s5 =	sshll.u32 s28, $0x1;
	[dreg:$0x2] =	wrdreg s3  }
0xa9: {  	[dreg:$0x3] =	wrdreg s5  }
0xaa: {  	[dreg:$0x4] =	wrdreg $0xC0  }
0xab: {  	_ =	task [dreg:s7], $0x5FFFF  }
0xac: {  	[dreg:$0x1] =	wrdreg $0xFFFFFFFF  }
0xad: {  	[dreg:$0x0] =	wrdreg $0x60  }
0xae: {  	[dreg:$0x2] =	wrdreg s24  }
0xaf: {  	[dreg:$0x3] =	wrdreg s2  }
0xb0: {  	[dreg:$0x4] =	wrdreg $0x9  }
0xb1: {  	_ =	task.clear_ibuf [dreg:s7], $0x5FFFF;
	_ =	strace $0x90000046  }
0xb2: {  	s29 =	simm.s32 $0x9;
	_ =	strace $0x80000048  }
0xb3: {  	_ =	swait.ge [sflag:s29], $0x1  }
0xb4: {  	[sflag:s29] =	ssyncadd.s32 $0xFFFFFFFF  }
0xb5: {  	_ =	strace $0x90000048  }
0xb6: {  	_ =	sfence  }
0xb7: {  	s30 =	sld [smem:$0x0];
	_ =	sdelay $0x2  }
0xb8: {  	s31 =	sshll.u32 s1, $0xD;
	s1 =	sshrl.u32 s1, $0x2  }
0xb9: {  	s3 =	sand.u32 $0x4000, s31;
	s1 =	sadd.s32 s1, s30  }
0xba: {  	s0 =	sor.u32 s3, s0;
	s1 =	sshll.u32 s1, $0x11  }
0xbb: {  	s0 =	sor.u32 s1, s0  }
0xbc: {  	s0 =	sadd.s32 $0x8F2B, s0  }
0xbd: {  	[sflag:s0] =	ssyncadd.remote.s32 $0x1  }
0xbe: {  	_ =	sfence.sel $0xFFFF  }
0xbf: {  	[dreg:$0x0] =	wrdreg $0xFFFFFFFF;
	(pc) =	sbr.abs _section_cstart, $3  }
0xc0: {  	[dreg:$0x1] =	wrdreg $0xFFFFFFFF  }
0xc1: {  	_ =	task.clear_ibuf [dreg:s7], $0x2FFFF;
	_ =	strace $0x9FFFFFFF  }
0xc2: {  	(tm) =	ssettm $0x7FFFFFFF  }
0xc3: {  	_ =	shalt  }
tec
execute0_lowered:
.L_overlay_start_1:
0x0: {  	(tag) =	ssettag $0x1  }
0x1: {  	s0 =	rddreg [dreg:$0x0]  }
0x2: {  	s1 =	srdreg.scid;
	s14 =	stileid.u32  }
0x3: {  	s4 =	rddreg [dreg:$0x1];
	s2 =	simm.s32 $0x0;
	s31 =	simm.s32 $0x6800  }
0x4: {  	s28 =	simm.s32 $0x7000;
	s17 =	simm.s32 $0x1;
	s16 =	simm.s32 $0x4  }
0x5: {  	s15 =	simm.s32 $0x8;
	s30 =	simm.s32 $0xB;
	s1 =	sand.u32 $0x1, s1  }
0x6: {  	s3 =	sshll.u32 s14, $0x1;
	[smem:$0x7FF] =	sst s2;
	s8 =	sadd.s32 $0x10800, s0  }
0x7: {  	s9 =	sadd.s32 $0x10900, s0;
	s11 =	sadd.s32 $0x10B00, s0;
	s24 =	sshll.u32 s14, $0x13  }
0x8: {  	s14 =	simm.s32 $0x6;
	s10 =	sor.u32 s1, s3;
	s5 =	ssub.s32 $0x2, s1  }
0x9: {  	_ =	strace $0x80000047;
	s1 =	sshll.u32 s1, $0x12;
	s3 =	sshll.u32 s10, $0xB  }
0xa: {  	s7 =	sshrl.u32 s5, $0x1;
	s13 =	sshll.u32 s10, $0x12;
	s10 =	sadd.s32 $0x10A00, s0  }
0xb: {  	s6 =	sadd.s32 s3, s0;
	s3 =	sadd.s32 $0x10400, s0;
	s13 =	sadd.s32 s4, s13  }
0xc: {  	s12 =	ssub.s32 s5, s7;
	s18 =	sadd.s32 $0x400, s6;
	[dreg:$0x5] =	wrdreg s13  }
0xd: {  	s5 =	sadd.s32 $0x10500, s0;
	s19 =	sadd.s32 $0x800, s13;
	[dreg:$0x4] =	wrdreg s18  }
0xe: {  	s7 =	sadd.s32 $0x10700, s0;
	s20 =	sadd.s32 $0x1000, s13;
	[dreg:$0x6] =	wrdreg s19  }
0xf: {  	s6 =	sadd.s32 $0x10600, s0;
	s21 =	sadd.s32 $0x1800, s13;
	[dreg:$0x7] =	wrdreg s20  }
0x10: {  	s22 =	sadd.s32 $0x2000, s13;
	s23 =	sadd.s32 $0x2800, s13;
	[dreg:$0x8] =	wrdreg s21  }
0x11: {  	s25 =	sadd.s32 $0x3F000, s13;
	s0 =	sadd.s32 s24, s4;
	[dreg:$0x9] =	wrdreg s22  }
0x12: {  	s26 =	sadd.s32 $0x3F800, s13;
	s29 =	smax.u32 s12, $0x1;
	[dreg:$0xa] =	wrdreg s23  }
0x13: {  	s4 =	simm.s32 $0x5800;
	s24 =	simm.s32 $0x6000;
	[dreg:$0xb] =	wrdreg s25  }
0x14: {  	s13 =	simm.s32 $0x7;
	s12 =	simm.s32 $0xC;
	[dreg:$0xc] =	wrdreg s26  }
0x15: {  	[dreg:$0xd] =	wrdreg s29;
	s0 =	sadd.s32 s1, s0;
	s22 =	simm.s32 $0x4800  }
0x16: {  	v0 =	vlaneseq.u32;
	s18 =	simm.s32 $0x5000;
	s21 =	simm.s32 $0x7800;
	s26 =	simm.s32 $0x2  }
0x17: {  	v1 =	vshrl.u32 v0, $0x3;
	s23 =	simm.s32 $0x3;
	s25 =	simm.s32 $0x5;
	s19 =	simm.s32 $0x9  }
0x18: {  	vm0 =	vmmov $0xffff;
	v0 =	vand.u32 $0x7, v0;
	v1 =	vmul.u32 $0x8, v1;
	s20 =	simm.s32 $0xA;
	[dreg:$0x3] =	wrdreg s0;
	s0 =	simm.s32 $0x0  }
.LBB2_1:
0x19: {  	[dreg:$0xe] =	wrdreg s0  }
0x1a: {  	s1 =	rddreg [dreg:$0x4];
	s0 =	simm.s32 $0xD  }
0x1b: {  	[tilespmem:s2], [sflag:$0xD] =	stream.linear.gather [hbm4b:s1+s2], $0x4000, $0x38;
	[tilespmem:$0x1C000] =	vst v63  }
0x1c: {  	_ =	swait.ge [sflag:s0], $0x4000  }
0x1d: {  	[sflag:s0] =	ssyncset.done $0x0  }
0x1e: {  	[sflag:s0] =	ssyncadd.s32 $0xFFFFC000  }
0x1f: {  	v2 =	vld.msk [tilespmem:$0x0], $0xff;
	_ =	sdelay $0x4  }
0x20: {  	v3 =	vshll.u32 v2, $0x4  }
0x21: {  	v2 =	vand.u32 $0x7, v2;
	v3 =	vand.u32 $0xFFFFFF80, v3  }
0x22: {  	v2 =	vor.u32 v2, v3  }
0x23: {  	v2 =	vperm.xlane v2, v0;
	_ =	sdelay $0x1  }
0x24: {  	v2 =	vadd.s32 v1, v2;
	_ =	sdelay $0x3  }
0x25: {  	s1 =	simm.s32 $0x4000  }
0x26: {  	[tilespmem:s1], [sflag:$0x1] =	stream.indirect_vreg.gather [hbm4b:s3+s2], $0x80, v2, vm0, $0xb8;
	[tilespmem:$0x1C000] =	vst v63  }
0x27: {  	_ = 	snop  }
0x28: {  	[tilespmem:s22], [sflag:$0x1] =	stream.indirect_vreg.gather [hbm4b:s5+s2], $0x80, v2, vm0, $0xb8;
	[tilespmem:$0x1C000] =	vst v63  }
0x29: {  	_ = 	snop  }
0x2a: {  	[tilespmem:s18], [sflag:$0x1] =	stream.indirect_vreg.gather [hbm4b:s6+s2], $0x80, v2, vm0, $0xb8;
	[tilespmem:$0x1C000] =	vst v63  }
0x2b: {  	_ = 	snop  }
0x2c: {  	[tilespmem:s4], [sflag:$0x1] =	stream.indirect_vreg.gather [hbm4b:s7+s2], $0x80, v2, vm0, $0xb8;
	[tilespmem:$0x1C000] =	vst v63  }
0x2d: {  	_ = 	snop  }
0x2e: {  	[tilespmem:s24], [sflag:$0x1] =	stream.indirect_vreg.gather [hbm4b:s8+s2], $0x80, v2, vm0, $0xb8;
	[tilespmem:$0x1C000] =	vst v63  }
0x2f: {  	_ = 	snop  }
0x30: {  	[tilespmem:s31], [sflag:$0x1] =	stream.indirect_vreg.gather [hbm4b:s9+s2], $0x80, v2, vm0, $0xb8;
	[tilespmem:$0x1C000] =	vst v63  }
0x31: {  	_ = 	snop  }
0x32: {  	[tilespmem:s28], [sflag:$0x1] =	stream.indirect_vreg.gather [hbm4b:s10+s2], $0x80, v2, vm0, $0xb8;
	[tilespmem:$0x1C000] =	vst v63  }
0x33: {  	_ = 	snop  }
0x34: {  	[tilespmem:s21], [sflag:$0x1] =	stream.indirect_vreg.gather [hbm4b:s11+s2], $0x80, v2, vm0, $0xb8;
	[tilespmem:$0x1C000] =	vst v63  }
0x35: {  	v2 =	vld.msk [tilespmem:$0x80], $0xff;
	_ =	sdelay $0x4  }
0x36: {  	v3 =	vshll.u32 v2, $0x4  }
0x37: {  	v2 =	vand.u32 $0x7, v2;
	v3 =	vand.u32 $0xFFFFFF80, v3  }
0x38: {  	v2 =	vor.u32 v2, v3  }
0x39: {  	v2 =	vperm.xlane v2, v0;
	_ =	sdelay $0x1  }
0x3a: {  	v2 =	vadd.s32 v1, v2;
	_ =	sdelay $0x3  }
0x3b: {  	s22 =	simm.s32 $0x8000  }
0x3c: {  	[tilespmem:s22], [sflag:$0x2] =	stream.indirect_vreg.gather [hbm4b:s3+s2], $0x80, v2, vm0, $0xb8;
	[tilespmem:$0x1C000] =	vst v63  }
0x3d: {  	s1 =	simm.s32 $0x8800  }
0x3e: {  	[tilespmem:s1], [sflag:$0x2] =	stream.indirect_vreg.gather [hbm4b:s5+s2], $0x80, v2, vm0, $0xb8;
	[tilespmem:$0x1C000] =	vst v63  }
0x3f: {  	s1 =	simm.s32 $0x9000  }
0x40: {  	[tilespmem:s1], [sflag:$0x2] =	stream.indirect_vreg.gather [hbm4b:s6+s2], $0x80, v2, vm0, $0xb8;
	[tilespmem:$0x1C000] =	vst v63  }
0x41: {  	s1 =	simm.s32 $0x9800  }
0x42: {  	[tilespmem:s1], [sflag:$0x2] =	stream.indirect_vreg.gather [hbm4b:s7+s2], $0x80, v2, vm0, $0xb8;
	[tilespmem:$0x1C000] =	vst v63  }
0x43: {  	s1 =	simm.s32 $0xA000  }
0x44: {  	[tilespmem:s1], [sflag:$0x2] =	stream.indirect_vreg.gather [hbm4b:s8+s2], $0x80, v2, vm0, $0xb8;
	[tilespmem:$0x1C000] =	vst v63  }
0x45: {  	s1 =	simm.s32 $0xA800  }
0x46: {  	[tilespmem:s1], [sflag:$0x2] =	stream.indirect_vreg.gather [hbm4b:s9+s2], $0x80, v2, vm0, $0xb8;
	[tilespmem:$0x1C000] =	vst v63  }
0x47: {  	s1 =	simm.s32 $0xB000  }
0x48: {  	[tilespmem:s1], [sflag:$0x2] =	stream.indirect_vreg.gather [hbm4b:s10+s2], $0x80, v2, vm0, $0xb8;
	[tilespmem:$0x1C000] =	vst v63  }
0x49: {  	s1 =	simm.s32 $0xB800  }
0x4a: {  	[tilespmem:s1], [sflag:$0x2] =	stream.indirect_vreg.gather [hbm4b:s11+s2], $0x80, v2, vm0, $0xb8;
	[tilespmem:$0x1C000] =	vst v63  }
0x4b: {  	_ =	swait.ge [sflag:s17], $0x4000  }
0x4c: {  	[sflag:s17] =	ssyncset.done $0x0  }
0x4d: {  	s29 =	simm.s32 $0x4000;
	s0 =	rddreg [dreg:$0x5];
	[sflag:s17] =	ssyncadd.s32 $0xFFFFC000  }
0x4e: {  	[hbm4b:s0+s2] =	stream.linear.scatter [tilespmem:s29], [sflag:$0x7], $0x4000, $0x38;
	[tilespmem:$0x1C000] =	vst v63  }
0x4f: {  	v2 =	vld.msk [tilespmem:$0x100], $0xff;
	_ =	sdelay $0x4  }
0x50: {  	v3 =	vshll.u32 v2, $0x4  }
0x51: {  	v2 =	vand.u32 $0x7, v2;
	v3 =	vand.u32 $0xFFFFFF80, v3  }
0x52: {  	v2 =	vor.u32 v2, v3  }
0x53: {  	v2 =	vperm.xlane v2, v0;
	_ =	sdelay $0x1  }
0x54: {  	v2 =	vadd.s32 v1, v2;
	_ =	sdelay $0x3  }
0x55: {  	s0 =	simm.s32 $0xC000  }
0x56: {  	[tilespmem:s0], [sflag:$0x3] =	stream.indirect_vreg.gather [hbm4b:s3+s2], $0x80, v2, vm0, $0xb8;
	[tilespmem:$0x1C000] =	vst v63  }
0x57: {  	s1 =	simm.s32 $0xC800  }
0x58: {  	[tilespmem:s1], [sflag:$0x3] =	stream.indirect_vreg.gather [hbm4b:s5+s2], $0x80, v2, vm0, $0xb8;
	[tilespmem:$0x1C000] =	vst v63  }
0x59: {  	s1 =	simm.s32 $0xD000  }
0x5a: {  	[tilespmem:s1], [sflag:$0x3] =	stream.indirect_vreg.gather [hbm4b:s6+s2], $0x80, v2, vm0, $0xb8;
	[tilespmem:$0x1C000] =	vst v63  }
0x5b: {  	s1 =	simm.s32 $0xD800  }
0x5c: {  	[tilespmem:s1], [sflag:$0x3] =	stream.indirect_vreg.gather [hbm4b:s7+s2], $0x80, v2, vm0, $0xb8;
	[tilespmem:$0x1C000] =	vst v63  }
0x5d: {  	s1 =	simm.s32 $0xE000  }
0x5e: {  	[tilespmem:s1], [sflag:$0x3] =	stream.indirect_vreg.gather [hbm4b:s8+s2], $0x80, v2, vm0, $0xb8;
	[tilespmem:$0x1C000] =	vst v63  }
0x5f: {  	s1 =	simm.s32 $0xE800  }
0x60: {  	[tilespmem:s1], [sflag:$0x3] =	stream.indirect_vreg.gather [hbm4b:s9+s2], $0x80, v2, vm0, $0xb8;
	[tilespmem:$0x1C000] =	vst v63  }
0x61: {  	s1 =	simm.s32 $0xF000  }
0x62: {  	[tilespmem:s1], [sflag:$0x3] =	stream.indirect_vreg.gather [hbm4b:s10+s2], $0x80, v2, vm0, $0xb8;
	[tilespmem:$0x1C000] =	vst v63  }
0x63: {  	s1 =	simm.s32 $0xF800  }
0x64: {  	[tilespmem:s1], [sflag:$0x3] =	stream.indirect_vreg.gather [hbm4b:s11+s2], $0x80, v2, vm0, $0xb8;
	[tilespmem:$0x1C000] =	vst v63  }
0x65: {  	_ =	swait.ge [sflag:s26], $0x4000  }
0x66: {  	[sflag:s26] =	ssyncset.done $0x0  }
0x67: {  	s22 =	simm.s32 $0x8000;
	s1 =	rddreg [dreg:$0x6];
	[sflag:s26] =	ssyncadd.s32 $0xFFFFC000  }
0x68: {  	[hbm4b:s1+s2] =	stream.linear.scatter [tilespmem:s22], [sflag:$0x8], $0x4000, $0x38;
	[tilespmem:$0x1C000] =	vst v63  }
0x69: {  	v2 =	vld.msk [tilespmem:$0x180], $0xff;
	_ =	sdelay $0x4  }
0x6a: {  	v3 =	vshll.u32 v2, $0x4  }
0x6b: {  	v2 =	vand.u32 $0x7, v2;
	v3 =	vand.u32 $0xFFFFFF80, v3  }
0x6c: {  	v2 =	vor.u32 v2, v3  }
0x6d: {  	v2 =	vperm.xlane v2, v0;
	_ =	sdelay $0x1  }
0x6e: {  	v2 =	vadd.s32 v1, v2;
	_ =	sdelay $0x3  }
0x6f: {  	s29 =	simm.s32 $0x10000  }
0x70: {  	[tilespmem:s29], [sflag:$0x4] =	stream.indirect_vreg.gather [hbm4b:s3+s2], $0x80, v2, vm0, $0xb8;
	[tilespmem:$0x1C000] =	vst v63  }
0x71: {  	s22 =	simm.s32 $0x10800  }
0x72: {  	[tilespmem:s22], [sflag:$0x4] =	stream.indirect_vreg.gather [hbm4b:s5+s2], $0x80, v2, vm0, $0xb8;
	[tilespmem:$0x1C000] =	vst v63  }
0x73: {  	s22 =	simm.s32 $0x11000  }
0x74: {  	[tilespmem:s22], [sflag:$0x4] =	stream.indirect_vreg.gather [hbm4b:s6+s2], $0x80, v2, vm0, $0xb8;
	[tilespmem:$0x1C000] =	vst v63  }
0x75: {  	s22 =	simm.s32 $0x11800  }
0x76: {  	[tilespmem:s22], [sflag:$0x4] =	stream.indirect_vreg.gather [hbm4b:s7+s2], $0x80, v2, vm0, $0xb8;
	[tilespmem:$0x1C000] =	vst v63  }
0x77: {  	s22 =	simm.s32 $0x12000  }
0x78: {  	[tilespmem:s22], [sflag:$0x4] =	stream.indirect_vreg.gather [hbm4b:s8+s2], $0x80, v2, vm0, $0xb8;
	[tilespmem:$0x1C000] =	vst v63  }
0x79: {  	s22 =	simm.s32 $0x12800  }
0x7a: {  	[tilespmem:s22], [sflag:$0x4] =	stream.indirect_vreg.gather [hbm4b:s9+s2], $0x80, v2, vm0, $0xb8;
	[tilespmem:$0x1C000] =	vst v63  }
0x7b: {  	s22 =	simm.s32 $0x13000  }
0x7c: {  	[tilespmem:s22], [sflag:$0x4] =	stream.indirect_vreg.gather [hbm4b:s10+s2], $0x80, v2, vm0, $0xb8;
	[tilespmem:$0x1C000] =	vst v63  }
0x7d: {  	s22 =	simm.s32 $0x13800  }
0x7e: {  	[tilespmem:s22], [sflag:$0x4] =	stream.indirect_vreg.gather [hbm4b:s11+s2], $0x80, v2, vm0, $0xb8;
	[tilespmem:$0x1C000] =	vst v63  }
0x7f: {  	_ =	swait.ge [sflag:s23], $0x4000  }
0x80: {  	[sflag:s23] =	ssyncset.done $0x0  }
0x81: {  	s22 =	rddreg [dreg:$0x7];
	[sflag:s23] =	ssyncadd.s32 $0xFFFFC000  }
0x82: {  	[hbm4b:s22+s2] =	stream.linear.scatter [tilespmem:s0], [sflag:$0x9], $0x4000, $0x38;
	[tilespmem:$0x1C000] =	vst v63  }
0x83: {  	v2 =	vld.msk [tilespmem:$0x200], $0xff;
	_ =	sdelay $0x4  }
0x84: {  	v3 =	vshll.u32 v2, $0x4  }
0x85: {  	v2 =	vand.u32 $0x7, v2;
	v3 =	vand.u32 $0xFFFFFF80, v3  }
0x86: {  	v2 =	vor.u32 v2, v3  }
0x87: {  	v2 =	vperm.xlane v2, v0;
	_ =	sdelay $0x1  }
0x88: {  	v2 =	vadd.s32 v1, v2;
	_ =	sdelay $0x3  }
0x89: {  	s22 =	simm.s32 $0x14000  }
0x8a: {  	[tilespmem:s22], [sflag:$0x5] =	stream.indirect_vreg.gather [hbm4b:s3+s2], $0x80, v2, vm0, $0xb8;
	[tilespmem:$0x1C000] =	vst v63  }
0x8b: {  	s1 =	simm.s32 $0x14800  }
0x8c: {  	[tilespmem:s1], [sflag:$0x5] =	stream.indirect_vreg.gather [hbm4b:s5+s2], $0x80, v2, vm0, $0xb8;
	[tilespmem:$0x1C000] =	vst v63  }
0x8d: {  	s1 =	simm.s32 $0x15000  }
0x8e: {  	[tilespmem:s1], [sflag:$0x5] =	stream.indirect_vreg.gather [hbm4b:s6+s2], $0x80, v2, vm0, $0xb8;
	[tilespmem:$0x1C000] =	vst v63  }
0x8f: {  	s1 =	simm.s32 $0x15800  }
0x90: {  	[tilespmem:s1], [sflag:$0x5] =	stream.indirect_vreg.gather [hbm4b:s7+s2], $0x80, v2, vm0, $0xb8;
	[tilespmem:$0x1C000] =	vst v63  }
0x91: {  	s1 =	simm.s32 $0x16000  }
0x92: {  	[tilespmem:s1], [sflag:$0x5] =	stream.indirect_vreg.gather [hbm4b:s8+s2], $0x80, v2, vm0, $0xb8;
	[tilespmem:$0x1C000] =	vst v63  }
0x93: {  	s1 =	simm.s32 $0x16800  }
0x94: {  	[tilespmem:s1], [sflag:$0x5] =	stream.indirect_vreg.gather [hbm4b:s9+s2], $0x80, v2, vm0, $0xb8;
	[tilespmem:$0x1C000] =	vst v63  }
0x95: {  	s1 =	simm.s32 $0x17000  }
0x96: {  	[tilespmem:s1], [sflag:$0x5] =	stream.indirect_vreg.gather [hbm4b:s10+s2], $0x80, v2, vm0, $0xb8;
	[tilespmem:$0x1C000] =	vst v63  }
0x97: {  	s1 =	simm.s32 $0x17800  }
0x98: {  	[tilespmem:s1], [sflag:$0x5] =	stream.indirect_vreg.gather [hbm4b:s11+s2], $0x80, v2, vm0, $0xb8;
	[tilespmem:$0x1C000] =	vst v63  }
0x99: {  	_ =	swait.ge [sflag:s16], $0x4000  }
0x9a: {  	[sflag:s16] =	ssyncset.done $0x0  }
0x9b: {  	s0 =	rddreg [dreg:$0x8];
	[sflag:s16] =	ssyncadd.s32 $0xFFFFC000  }
0x9c: {  	[hbm4b:s0+s2] =	stream.linear.scatter [tilespmem:s29], [sflag:$0xA], $0x4000, $0x38;
	[tilespmem:$0x1C000] =	vst v63  }
0x9d: {  	v2 =	vld.msk [tilespmem:$0x280], $0xff;
	_ =	sdelay $0x4  }
0x9e: {  	v3 =	vshll.u32 v2, $0x4  }
0x9f: {  	v2 =	vand.u32 $0x7, v2;
	v3 =	vand.u32 $0xFFFFFF80, v3  }
0xa0: {  	v2 =	vor.u32 v2, v3  }
0xa1: {  	v2 =	vperm.xlane v2, v0;
	_ =	sdelay $0x1  }
0xa2: {  	v2 =	vadd.s32 v1, v2;
	_ =	sdelay $0x3  }
0xa3: {  	s0 =	simm.s32 $0x18000  }
0xa4: {  	[tilespmem:s0], [sflag:$0x6] =	stream.indirect_vreg.gather [hbm4b:s3+s2], $0x80, v2, vm0, $0xb8;
	[tilespmem:$0x1C000] =	vst v63  }
0xa5: {  	s1 =	simm.s32 $0x18800  }
0xa6: {  	[tilespmem:s1], [sflag:$0x6] =	stream.indirect_vreg.gather [hbm4b:s5+s2], $0x80, v2, vm0, $0xb8;
	[tilespmem:$0x1C000] =	vst v63  }
0xa7: {  	s1 =	simm.s32 $0x19000  }
0xa8: {  	[tilespmem:s1], [sflag:$0x6] =	stream.indirect_vreg.gather [hbm4b:s6+s2], $0x80, v2, vm0, $0xb8;
	[tilespmem:$0x1C000] =	vst v63  }
0xa9: {  	s1 =	simm.s32 $0x19800  }
0xaa: {  	[tilespmem:s1], [sflag:$0x6] =	stream.indirect_vreg.gather [hbm4b:s7+s2], $0x80, v2, vm0, $0xb8;
	[tilespmem:$0x1C000] =	vst v63  }
0xab: {  	s1 =	simm.s32 $0x1A000  }
0xac: {  	[tilespmem:s1], [sflag:$0x6] =	stream.indirect_vreg.gather [hbm4b:s8+s2], $0x80, v2, vm0, $0xb8;
	[tilespmem:$0x1C000] =	vst v63  }
0xad: {  	s1 =	simm.s32 $0x1A800  }
0xae: {  	[tilespmem:s1], [sflag:$0x6] =	stream.indirect_vreg.gather [hbm4b:s9+s2], $0x80, v2, vm0, $0xb8;
	[tilespmem:$0x1C000] =	vst v63  }
0xaf: {  	s1 =	simm.s32 $0x1B000  }
0xb0: {  	[tilespmem:s1], [sflag:$0x6] =	stream.indirect_vreg.gather [hbm4b:s10+s2], $0x80, v2, vm0, $0xb8;
	[tilespmem:$0x1C000] =	vst v63  }
0xb1: {  	s1 =	simm.s32 $0x1B800  }
0xb2: {  	[tilespmem:s1], [sflag:$0x6] =	stream.indirect_vreg.gather [hbm4b:s11+s2], $0x80, v2, vm0, $0xb8;
	[tilespmem:$0x1C000] =	vst v63  }
0xb3: {  	_ =	swait.ge [sflag:s25], $0x4000  }
0xb4: {  	[sflag:s25] =	ssyncset.done $0x0  }
0xb5: {  	s1 =	rddreg [dreg:$0x9];
	[sflag:s25] =	ssyncadd.s32 $0xFFFFC000  }
0xb6: {  	[hbm4b:s1+s2] =	stream.linear.scatter [tilespmem:s22], [sflag:$0xB], $0x4000, $0x38;
	[tilespmem:$0x1C000] =	vst v63  }
0xb7: {  	_ =	swait.ge [sflag:s13], $0x4000  }
0xb8: {  	[sflag:s13] =	ssyncset.done $0x0  }
0xb9: {  	[sflag:s13] =	ssyncadd.s32 $0xFFFFC000  }
0xba: {  	v2 =	vld.msk [tilespmem:$0x300], $0xff;
	_ =	sdelay $0x4  }
0xbb: {  	v3 =	vshll.u32 v2, $0x4  }
0xbc: {  	v2 =	vand.u32 $0x7, v2;
	v3 =	vand.u32 $0xFFFFFF80, v3  }
0xbd: {  	v2 =	vor.u32 v2, v3  }
0xbe: {  	v2 =	vperm.xlane v2, v0;
	_ =	sdelay $0x1  }
0xbf: {  	v2 =	vadd.s32 v1, v2;
	_ =	sdelay $0x3  }
0xc0: {  	s1 =	simm.s32 $0x4000  }
0xc1: {  	[tilespmem:s1], [sflag:$0x1] =	stream.indirect_vreg.gather [hbm4b:s3+s2], $0x80, v2, vm0, $0xb8;
	[tilespmem:$0x1C000] =	vst v63  }
0xc2: {  	s1 =	simm.s32 $0x4800  }
0xc3: {  	[tilespmem:s1], [sflag:$0x1] =	stream.indirect_vreg.gather [hbm4b:s5+s2], $0x80, v2, vm0, $0xb8;
	[tilespmem:$0x1C000] =	vst v63  }
0xc4: {  	_ = 	snop  }
0xc5: {  	[tilespmem:s18], [sflag:$0x1] =	stream.indirect_vreg.gather [hbm4b:s6+s2], $0x80, v2, vm0, $0xb8;
	[tilespmem:$0x1C000] =	vst v63  }
0xc6: {  	_ = 	snop  }
0xc7: {  	[tilespmem:s4], [sflag:$0x1] =	stream.indirect_vreg.gather [hbm4b:s7+s2], $0x80, v2, vm0, $0xb8;
	[tilespmem:$0x1C000] =	vst v63  }
0xc8: {  	_ = 	snop  }
0xc9: {  	[tilespmem:s24], [sflag:$0x1] =	stream.indirect_vreg.gather [hbm4b:s8+s2], $0x80, v2, vm0, $0xb8;
	[tilespmem:$0x1C000] =	vst v63  }
0xca: {  	_ = 	snop  }
0xcb: {  	[tilespmem:s31], [sflag:$0x1] =	stream.indirect_vreg.gather [hbm4b:s9+s2], $0x80, v2, vm0, $0xb8;
	[tilespmem:$0x1C000] =	vst v63  }
0xcc: {  	_ = 	snop  }
0xcd: {  	[tilespmem:s28], [sflag:$0x1] =	stream.indirect_vreg.gather [hbm4b:s10+s2], $0x80, v2, vm0, $0xb8;
	[tilespmem:$0x1C000] =	vst v63  }
0xce: {  	_ = 	snop  }
0xcf: {  	[tilespmem:s21], [sflag:$0x1] =	stream.indirect_vreg.gather [hbm4b:s11+s2], $0x80, v2, vm0, $0xb8;
	[tilespmem:$0x1C000] =	vst v63  }
0xd0: {  	_ =	swait.ge [sflag:s14], $0x4000  }
0xd1: {  	[sflag:s14] =	ssyncset.done $0x0  }
0xd2: {  	s24 =	rddreg [dreg:$0xa];
	[sflag:s14] =	ssyncadd.s32 $0xFFFFC000  }
0xd3: {  	[hbm4b:s24+s2] =	stream.linear.scatter [tilespmem:s0], [sflag:$0xC], $0x4000, $0x38;
	[tilespmem:$0x1C000] =	vst v63  }
0xd4: {  	_ =	swait.ge [sflag:s15], $0x4000  }
0xd5: {  	[sflag:s15] =	ssyncset.done $0x0  }
0xd6: {  	[sflag:s15] =	ssyncadd.s32 $0xFFFFC000  }
0xd7: {  	v2 =	vld.msk [tilespmem:$0x380], $0xff;
	_ =	sdelay $0x4  }
0xd8: {  	v3 =	vshll.u32 v2, $0x4  }
0xd9: {  	v2 =	vand.u32 $0x7, v2;
	v3 =	vand.u32 $0xFFFFFF80, v3  }
0xda: {  	v2 =	vor.u32 v2, v3  }
0xdb: {  	v2 =	vperm.xlane v2, v0;
	_ =	sdelay $0x1  }
0xdc: {  	v2 =	vadd.s32 v1, v2;
	_ =	sdelay $0x3  }
0xdd: {  	s28 =	simm.s32 $0x8000  }
0xde: {  	[tilespmem:s28], [sflag:$0x2] =	stream.indirect_vreg.gather [hbm4b:s3+s2], $0x80, v2, vm0, $0xb8;
	[tilespmem:$0x1C000] =	vst v63  }
0xdf: {  	s31 =	simm.s32 $0x8800  }
0xe0: {  	[tilespmem:s31], [sflag:$0x2] =	stream.indirect_vreg.gather [hbm4b:s5+s2], $0x80, v2, vm0, $0xb8;
	[tilespmem:$0x1C000] =	vst v63  }
0xe1: {  	s4 =	simm.s32 $0x9000  }
0xe2: {  	[tilespmem:s4], [sflag:$0x2] =	stream.indirect_vreg.gather [hbm4b:s6+s2], $0x80, v2, vm0, $0xb8;
	[tilespmem:$0x1C000] =	vst v63  }
0xe3: {  	s18 =	simm.s32 $0x9800  }
0xe4: {  	[tilespmem:s18], [sflag:$0x2] =	stream.indirect_vreg.gather [hbm4b:s7+s2], $0x80, v2, vm0, $0xb8;
	[tilespmem:$0x1C000] =	vst v63  }
0xe5: {  	s21 =	simm.s32 $0xA000  }
0xe6: {  	[tilespmem:s21], [sflag:$0x2] =	stream.indirect_vreg.gather [hbm4b:s8+s2], $0x80, v2, vm0, $0xb8;
	[tilespmem:$0x1C000] =	vst v63  }
0xe7: {  	s24 =	simm.s32 $0xA800  }
0xe8: {  	[tilespmem:s24], [sflag:$0x2] =	stream.indirect_vreg.gather [hbm4b:s9+s2], $0x80, v2, vm0, $0xb8;
	[tilespmem:$0x1C000] =	vst v63  }
0xe9: {  	s28 =	simm.s32 $0xB000  }
0xea: {  	[tilespmem:s28], [sflag:$0x2] =	stream.indirect_vreg.gather [hbm4b:s10+s2], $0x80, v2, vm0, $0xb8;
	[tilespmem:$0x1C000] =	vst v63  }
0xeb: {  	s1 =	simm.s32 $0x0;
	s31 =	simm.s32 $0xB800;
	s21 =	simm.s32 $0x680  }
0xec: {  	[tilespmem:s31], [sflag:$0x2] =	stream.indirect_vreg.gather [hbm4b:s11+s2], $0x80, v2, vm0, $0xb8;
	[tilespmem:$0x1C000] =	vst v63  }
.LBB2_2:
0xed: {  	_ =	swait.ge [sflag:s17], $0x4000  }
0xee: {  	s24 =	rddreg [dreg:$0x3]  }
0xef: {  	[sflag:s17] =	ssyncset.done $0x0;
	s24 =	sadd.s32 s1, s24  }
0xf0: {  	s18 =	simm.s32 $0x4000;
	[sflag:s17] =	ssyncadd.s32 $0xFFFFC000;
	s4 =	sadd.s32 $0x3000, s24  }
0xf1: {  	[hbm4b:s4+s2] =	stream.linear.scatter [tilespmem:s18], [sflag:$0x7], $0x4000, $0x38;
	[tilespmem:$0x1C000] =	vst v63  }
0xf2: {  	_ =	swait.ge [sflag:s19], $0x4000  }
0xf3: {  	[sflag:s19] =	ssyncset.done $0x0  }
0xf4: {  	[sflag:s19] =	ssyncadd.s32 $0xFFFFC000  }
0xf5: {  	v2 =	vld.msk [tilespmem:s21+$0xFFFFFD80], $0xff;
	_ =	sdelay $0x4  }
0xf6: {  	v3 =	vshll.u32 v2, $0x4  }
0xf7: {  	v2 =	vand.u32 $0x7, v2;
	v3 =	vand.u32 $0xFFFFFF80, v3  }
0xf8: {  	v2 =	vor.u32 v2, v3  }
0xf9: {  	v2 =	vperm.xlane v2, v0;
	_ =	sdelay $0x1  }
0xfa: {  	v2 =	vadd.s32 v1, v2;
	_ =	sdelay $0x3  }
0xfb: {  	s31 =	simm.s32 $0xC000  }
0xfc: {  	[tilespmem:s31], [sflag:$0x3] =	stream.indirect_vreg.gather [hbm4b:s3+s2], $0x80, v2, vm0, $0xb8;
	[tilespmem:$0x1C000] =	vst v63  }
0xfd: {  	s28 =	simm.s32 $0xC800  }
0xfe: {  	[tilespmem:s28], [sflag:$0x3] =	stream.indirect_vreg.gather [hbm4b:s5+s2], $0x80, v2, vm0, $0xb8;
	[tilespmem:$0x1C000] =	vst v63  }
0xff: {  	s28 =	simm.s32 $0xD000  }
0x100: {  	[tilespmem:s28], [sflag:$0x3] =	stream.indirect_vreg.gather [hbm4b:s6+s2], $0x80, v2, vm0, $0xb8;
	[tilespmem:$0x1C000] =	vst v63  }
0x101: {  	s28 =	simm.s32 $0xD800  }
0x102: {  	[tilespmem:s28], [sflag:$0x3] =	stream.indirect_vreg.gather [hbm4b:s7+s2], $0x80, v2, vm0, $0xb8;
	[tilespmem:$0x1C000] =	vst v63  }
0x103: {  	s28 =	simm.s32 $0xE000  }
0x104: {  	[tilespmem:s28], [sflag:$0x3] =	stream.indirect_vreg.gather [hbm4b:s8+s2], $0x80, v2, vm0, $0xb8;
	[tilespmem:$0x1C000] =	vst v63  }
0x105: {  	s28 =	simm.s32 $0xE800  }
0x106: {  	[tilespmem:s28], [sflag:$0x3] =	stream.indirect_vreg.gather [hbm4b:s9+s2], $0x80, v2, vm0, $0xb8;
	[tilespmem:$0x1C000] =	vst v63  }
0x107: {  	s28 =	simm.s32 $0xF000  }
0x108: {  	[tilespmem:s28], [sflag:$0x3] =	stream.indirect_vreg.gather [hbm4b:s10+s2], $0x80, v2, vm0, $0xb8;
	[tilespmem:$0x1C000] =	vst v63  }
0x109: {  	s28 =	simm.s32 $0xF800  }
0x10a: {  	[tilespmem:s28], [sflag:$0x3] =	stream.indirect_vreg.gather [hbm4b:s11+s2], $0x80, v2, vm0, $0xb8;
	[tilespmem:$0x1C000] =	vst v63  }
0x10b: {  	_ =	swait.ge [sflag:s26], $0x4000  }
0x10c: {  	[sflag:s26] =	ssyncset.done $0x0  }
0x10d: {  	s4 =	sadd.s32 $0x3800, s24;
	s28 =	simm.s32 $0x8000;
	[sflag:s26] =	ssyncadd.s32 $0xFFFFC000  }
0x10e: {  	[hbm4b:s4+s2] =	stream.linear.scatter [tilespmem:s28], [sflag:$0x8], $0x4000, $0x38;
	[tilespmem:$0x1C000] =	vst v63  }
0x10f: {  	_ =	swait.ge [sflag:s20], $0x4000  }
0x110: {  	[sflag:s20] =	ssyncset.done $0x0  }
0x111: {  	[sflag:s20] =	ssyncadd.s32 $0xFFFFC000  }
0x112: {  	v2 =	vld.msk [tilespmem:s21+$0xFFFFFE00], $0xff;
	_ =	sdelay $0x4  }
0x113: {  	v3 =	vshll.u32 v2, $0x4  }
0x114: {  	v2 =	vand.u32 $0x7, v2;
	v3 =	vand.u32 $0xFFFFFF80, v3  }
0x115: {  	v2 =	vor.u32 v2, v3  }
0x116: {  	v2 =	vperm.xlane v2, v0;
	_ =	sdelay $0x1  }
0x117: {  	v2 =	vadd.s32 v1, v2;
	_ =	sdelay $0x4  }
0x118: {  	[tilespmem:s29], [sflag:$0x4] =	stream.indirect_vreg.gather [hbm4b:s3+s2], $0x80, v2, vm0, $0xb8;
	[tilespmem:$0x1C000] =	vst v63  }
0x119: {  	s4 =	simm.s32 $0x10800  }
0x11a: {  	[tilespmem:s4], [sflag:$0x4] =	stream.indirect_vreg.gather [hbm4b:s5+s2], $0x80, v2, vm0, $0xb8;
	[tilespmem:$0x1C000] =	vst v63  }
0x11b: {  	s4 =	simm.s32 $0x11000  }
0x11c: {  	[tilespmem:s4], [sflag:$0x4] =	stream.indirect_vreg.gather [hbm4b:s6+s2], $0x80, v2, vm0, $0xb8;
	[tilespmem:$0x1C000] =	vst v63  }
0x11d: {  	s4 =	simm.s32 $0x11800  }
0x11e: {  	[tilespmem:s4], [sflag:$0x4] =	stream.indirect_vreg.gather [hbm4b:s7+s2], $0x80, v2, vm0, $0xb8;
	[tilespmem:$0x1C000] =	vst v63  }
0x11f: {  	s4 =	simm.s32 $0x12000  }
0x120: {  	[tilespmem:s4], [sflag:$0x4] =	stream.indirect_vreg.gather [hbm4b:s8+s2], $0x80, v2, vm0, $0xb8;
	[tilespmem:$0x1C000] =	vst v63  }
0x121: {  	s4 =	simm.s32 $0x12800  }
0x122: {  	[tilespmem:s4], [sflag:$0x4] =	stream.indirect_vreg.gather [hbm4b:s9+s2], $0x80, v2, vm0, $0xb8;
	[tilespmem:$0x1C000] =	vst v63  }
0x123: {  	s4 =	simm.s32 $0x13000  }
0x124: {  	[tilespmem:s4], [sflag:$0x4] =	stream.indirect_vreg.gather [hbm4b:s10+s2], $0x80, v2, vm0, $0xb8;
	[tilespmem:$0x1C000] =	vst v63  }
0x125: {  	s4 =	simm.s32 $0x13800  }
0x126: {  	[tilespmem:s4], [sflag:$0x4] =	stream.indirect_vreg.gather [hbm4b:s11+s2], $0x80, v2, vm0, $0xb8;
	[tilespmem:$0x1C000] =	vst v63  }
0x127: {  	_ =	swait.ge [sflag:s23], $0x4000  }
0x128: {  	[sflag:s23] =	ssyncset.done $0x0  }
0x129: {  	s4 =	sadd.s32 $0x4000, s24;
	[sflag:s23] =	ssyncadd.s32 $0xFFFFC000  }
0x12a: {  	[hbm4b:s4+s2] =	stream.linear.scatter [tilespmem:s31], [sflag:$0x9], $0x4000, $0x38;
	[tilespmem:$0x1C000] =	vst v63  }
0x12b: {  	_ =	swait.ge [sflag:s30], $0x4000  }
0x12c: {  	[sflag:s30] =	ssyncset.done $0x0  }
0x12d: {  	[sflag:s30] =	ssyncadd.s32 $0xFFFFC000  }
0x12e: {  	v2 =	vld.msk [tilespmem:s21+$0xFFFFFE80], $0xff;
	_ =	sdelay $0x4  }
0x12f: {  	v3 =	vshll.u32 v2, $0x4  }
0x130: {  	v2 =	vand.u32 $0x7, v2;
	v3 =	vand.u32 $0xFFFFFF80, v3  }
0x131: {  	v2 =	vor.u32 v2, v3  }
0x132: {  	v2 =	vperm.xlane v2, v0;
	_ =	sdelay $0x1  }
0x133: {  	v2 =	vadd.s32 v1, v2;
	_ =	sdelay $0x4  }
0x134: {  	[tilespmem:s22], [sflag:$0x5] =	stream.indirect_vreg.gather [hbm4b:s3+s2], $0x80, v2, vm0, $0xb8;
	[tilespmem:$0x1C000] =	vst v63  }
0x135: {  	s4 =	simm.s32 $0x14800  }
0x136: {  	[tilespmem:s4], [sflag:$0x5] =	stream.indirect_vreg.gather [hbm4b:s5+s2], $0x80, v2, vm0, $0xb8;
	[tilespmem:$0x1C000] =	vst v63  }
0x137: {  	s4 =	simm.s32 $0x15000  }
0x138: {  	[tilespmem:s4], [sflag:$0x5] =	stream.indirect_vreg.gather [hbm4b:s6+s2], $0x80, v2, vm0, $0xb8;
	[tilespmem:$0x1C000] =	vst v63  }
0x139: {  	s4 =	simm.s32 $0x15800  }
0x13a: {  	[tilespmem:s4], [sflag:$0x5] =	stream.indirect_vreg.gather [hbm4b:s7+s2], $0x80, v2, vm0, $0xb8;
	[tilespmem:$0x1C000] =	vst v63  }
0x13b: {  	s4 =	simm.s32 $0x16000  }
0x13c: {  	[tilespmem:s4], [sflag:$0x5] =	stream.indirect_vreg.gather [hbm4b:s8+s2], $0x80, v2, vm0, $0xb8;
	[tilespmem:$0x1C000] =	vst v63  }
0x13d: {  	s4 =	simm.s32 $0x16800  }
0x13e: {  	[tilespmem:s4], [sflag:$0x5] =	stream.indirect_vreg.gather [hbm4b:s9+s2], $0x80, v2, vm0, $0xb8;
	[tilespmem:$0x1C000] =	vst v63  }
0x13f: {  	s4 =	simm.s32 $0x17000  }
0x140: {  	[tilespmem:s4], [sflag:$0x5] =	stream.indirect_vreg.gather [hbm4b:s10+s2], $0x80, v2, vm0, $0xb8;
	[tilespmem:$0x1C000] =	vst v63  }
0x141: {  	s4 =	simm.s32 $0x17800  }
0x142: {  	[tilespmem:s4], [sflag:$0x5] =	stream.indirect_vreg.gather [hbm4b:s11+s2], $0x80, v2, vm0, $0xb8;
	[tilespmem:$0x1C000] =	vst v63  }
0x143: {  	_ =	swait.ge [sflag:s16], $0x4000  }
0x144: {  	[sflag:s16] =	ssyncset.done $0x0  }
0x145: {  	s4 =	sadd.s32 $0x4800, s24;
	[sflag:s16] =	ssyncadd.s32 $0xFFFFC000  }
0x146: {  	[hbm4b:s4+s2] =	stream.linear.scatter [tilespmem:s29], [sflag:$0xA], $0x4000, $0x38;
	[tilespmem:$0x1C000] =	vst v63  }
0x147: {  	_ =	swait.ge [sflag:s12], $0x4000  }
0x148: {  	[sflag:s12] =	ssyncset.done $0x0  }
0x149: {  	[sflag:s12] =	ssyncadd.s32 $0xFFFFC000  }
0x14a: {  	v2 =	vld.msk [tilespmem:s21+$0xFFFFFF00], $0xff;
	_ =	sdelay $0x4  }
0x14b: {  	v3 =	vshll.u32 v2, $0x4  }
0x14c: {  	v2 =	vand.u32 $0x7, v2;
	v3 =	vand.u32 $0xFFFFFF80, v3  }
0x14d: {  	v2 =	vor.u32 v2, v3  }
0x14e: {  	v2 =	vperm.xlane v2, v0;
	_ =	sdelay $0x1  }
0x14f: {  	v2 =	vadd.s32 v1, v2;
	_ =	sdelay $0x4  }
0x150: {  	[tilespmem:s0], [sflag:$0x6] =	stream.indirect_vreg.gather [hbm4b:s3+s2], $0x80, v2, vm0, $0xb8;
	[tilespmem:$0x1C000] =	vst v63  }
0x151: {  	s4 =	simm.s32 $0x18800  }
0x152: {  	[tilespmem:s4], [sflag:$0x6] =	stream.indirect_vreg.gather [hbm4b:s5+s2], $0x80, v2, vm0, $0xb8;
	[tilespmem:$0x1C000] =	vst v63  }
0x153: {  	s4 =	simm.s32 $0x19000  }
0x154: {  	[tilespmem:s4], [sflag:$0x6] =	stream.indirect_vreg.gather [hbm4b:s6+s2], $0x80, v2, vm0, $0xb8;
	[tilespmem:$0x1C000] =	vst v63  }
0x155: {  	s4 =	simm.s32 $0x19800  }
0x156: {  	[tilespmem:s4], [sflag:$0x6] =	stream.indirect_vreg.gather [hbm4b:s7+s2], $0x80, v2, vm0, $0xb8;
	[tilespmem:$0x1C000] =	vst v63  }
0x157: {  	s4 =	simm.s32 $0x1A000  }
0x158: {  	[tilespmem:s4], [sflag:$0x6] =	stream.indirect_vreg.gather [hbm4b:s8+s2], $0x80, v2, vm0, $0xb8;
	[tilespmem:$0x1C000] =	vst v63  }
0x159: {  	s4 =	simm.s32 $0x1A800  }
0x15a: {  	[tilespmem:s4], [sflag:$0x6] =	stream.indirect_vreg.gather [hbm4b:s9+s2], $0x80, v2, vm0, $0xb8;
	[tilespmem:$0x1C000] =	vst v63  }
0x15b: {  	s4 =	simm.s32 $0x1B000  }
0x15c: {  	[tilespmem:s4], [sflag:$0x6] =	stream.indirect_vreg.gather [hbm4b:s10+s2], $0x80, v2, vm0, $0xb8;
	[tilespmem:$0x1C000] =	vst v63  }
0x15d: {  	s4 =	simm.s32 $0x1B800  }
0x15e: {  	[tilespmem:s4], [sflag:$0x6] =	stream.indirect_vreg.gather [hbm4b:s11+s2], $0x80, v2, vm0, $0xb8;
	[tilespmem:$0x1C000] =	vst v63  }
0x15f: {  	_ =	swait.ge [sflag:s25], $0x4000  }
0x160: {  	[sflag:s25] =	ssyncset.done $0x0  }
0x161: {  	s4 =	sadd.s32 $0x5000, s24;
	[sflag:s25] =	ssyncadd.s32 $0xFFFFC000  }
0x162: {  	[hbm4b:s4+s2] =	stream.linear.scatter [tilespmem:s22], [sflag:$0xB], $0x4000, $0x38;
	[tilespmem:$0x1C000] =	vst v63  }
0x163: {  	_ =	swait.ge [sflag:s13], $0x4000  }
0x164: {  	[sflag:s13] =	ssyncset.done $0x0  }
0x165: {  	[sflag:s13] =	ssyncadd.s32 $0xFFFFC000  }
0x166: {  	v2 =	vld.msk [tilespmem:s21+$0xFFFFFF80], $0xff;
	_ =	sdelay $0x4  }
0x167: {  	v3 =	vshll.u32 v2, $0x4  }
0x168: {  	v2 =	vand.u32 $0x7, v2;
	v3 =	vand.u32 $0xFFFFFF80, v3  }
0x169: {  	v2 =	vor.u32 v2, v3  }
0x16a: {  	v2 =	vperm.xlane v2, v0;
	_ =	sdelay $0x1  }
0x16b: {  	v2 =	vadd.s32 v1, v2;
	_ =	sdelay $0x4  }
0x16c: {  	[tilespmem:s18], [sflag:$0x1] =	stream.indirect_vreg.gather [hbm4b:s3+s2], $0x80, v2, vm0, $0xb8;
	[tilespmem:$0x1C000] =	vst v63  }
0x16d: {  	s4 =	simm.s32 $0x4800  }
0x16e: {  	[tilespmem:s4], [sflag:$0x1] =	stream.indirect_vreg.gather [hbm4b:s5+s2], $0x80, v2, vm0, $0xb8;
	[tilespmem:$0x1C000] =	vst v63  }
0x16f: {  	s18 =	simm.s32 $0x5000  }
0x170: {  	[tilespmem:s18], [sflag:$0x1] =	stream.indirect_vreg.gather [hbm4b:s6+s2], $0x80, v2, vm0, $0xb8;
	[tilespmem:$0x1C000] =	vst v63  }
0x171: {  	s4 =	simm.s32 $0x5800  }
0x172: {  	[tilespmem:s4], [sflag:$0x1] =	stream.indirect_vreg.gather [hbm4b:s7+s2], $0x80, v2, vm0, $0xb8;
	[tilespmem:$0x1C000] =	vst v63  }
0x173: {  	s4 =	simm.s32 $0x6000  }
0x174: {  	[tilespmem:s4], [sflag:$0x1] =	stream.indirect_vreg.gather [hbm4b:s8+s2], $0x80, v2, vm0, $0xb8;
	[tilespmem:$0x1C000] =	vst v63  }
0x175: {  	s4 =	simm.s32 $0x6800  }
0x176: {  	[tilespmem:s4], [sflag:$0x1] =	stream.indirect_vreg.gather [hbm4b:s9+s2], $0x80, v2, vm0, $0xb8;
	[tilespmem:$0x1C000] =	vst v63  }
0x177: {  	s4 =	simm.s32 $0x7000  }
0x178: {  	[tilespmem:s4], [sflag:$0x1] =	stream.indirect_vreg.gather [hbm4b:s10+s2], $0x80, v2, vm0, $0xb8;
	[tilespmem:$0x1C000] =	vst v63  }
0x179: {  	s4 =	simm.s32 $0x7800  }
0x17a: {  	[tilespmem:s4], [sflag:$0x1] =	stream.indirect_vreg.gather [hbm4b:s11+s2], $0x80, v2, vm0, $0xb8;
	[tilespmem:$0x1C000] =	vst v63  }
0x17b: {  	_ =	swait.ge [sflag:s14], $0x4000  }
0x17c: {  	[sflag:s14] =	ssyncset.done $0x0  }
0x17d: {  	s24 =	sadd.s32 $0x5800, s24;
	[sflag:s14] =	ssyncadd.s32 $0xFFFFC000  }
0x17e: {  	[hbm4b:s24+s2] =	stream.linear.scatter [tilespmem:s0], [sflag:$0xC], $0x4000, $0x38;
	[tilespmem:$0x1C000] =	vst v63  }
0x17f: {  	_ =	swait.ge [sflag:s15], $0x4000  }
0x180: {  	[sflag:s15] =	ssyncset.done $0x0  }
0x181: {  	[sflag:s15] =	ssyncadd.s32 $0xFFFFC000  }
0x182: {  	v2 =	vld.msk [tilespmem:s21+$0x0], $0xff;
	_ =	sdelay $0x4  }
0x183: {  	v3 =	vshll.u32 v2, $0x4  }
0x184: {  	v2 =	vand.u32 $0x7, v2;
	v3 =	vand.u32 $0xFFFFFF80, v3  }
0x185: {  	v2 =	vor.u32 v2, v3  }
0x186: {  	v2 =	vperm.xlane v2, v0;
	_ =	sdelay $0x1  }
0x187: {  	v2 =	vadd.s32 v1, v2;
	_ =	sdelay $0x4  }
0x188: {  	[tilespmem:s28], [sflag:$0x2] =	stream.indirect_vreg.gather [hbm4b:s3+s2], $0x80, v2, vm0, $0xb8;
	[tilespmem:$0x1C000] =	vst v63  }
0x189: {  	s28 =	simm.s32 $0x8800  }
0x18a: {  	[tilespmem:s28], [sflag:$0x2] =	stream.indirect_vreg.gather [hbm4b:s5+s2], $0x80, v2, vm0, $0xb8;
	[tilespmem:$0x1C000] =	vst v63  }
0x18b: {  	s28 =	simm.s32 $0x9000  }
0x18c: {  	[tilespmem:s28], [sflag:$0x2] =	stream.indirect_vreg.gather [hbm4b:s6+s2], $0x80, v2, vm0, $0xb8;
	[tilespmem:$0x1C000] =	vst v63  }
0x18d: {  	s28 =	simm.s32 $0x9800  }
0x18e: {  	[tilespmem:s28], [sflag:$0x2] =	stream.indirect_vreg.gather [hbm4b:s7+s2], $0x80, v2, vm0, $0xb8;
	[tilespmem:$0x1C000] =	vst v63  }
0x18f: {  	s28 =	simm.s32 $0xA000  }
0x190: {  	[tilespmem:s28], [sflag:$0x2] =	stream.indirect_vreg.gather [hbm4b:s8+s2], $0x80, v2, vm0, $0xb8;
	[tilespmem:$0x1C000] =	vst v63  }
0x191: {  	p0 =	sne.s32 s1, $0x39000;
	s28 =	simm.s32 $0xA800  }
0x192: {  	[tilespmem:s28], [sflag:$0x2] =	stream.indirect_vreg.gather [hbm4b:s9+s2], $0x80, v2, vm0, $0xb8;
	[tilespmem:$0x1C000] =	vst v63  }
.Ltmp0:
0x193: {  	_ = 	snop;
	(pc) =	sbr.rel @p0 .LBB2_2-.Ltmp0, $4  }
0x194: {  	s1 =	sadd.s32 $0x3000, s1;
	s31 =	simm.s32 $0x4000;
	s28 =	simm.s32 $0xB000  }
0x195: {  	[tilespmem:s28], [sflag:$0x2] =	stream.indirect_vreg.gather [hbm4b:s10+s2], $0x80, v2, vm0, $0xb8;
	[tilespmem:$0x1C000] =	vst v63  }
0x196: {  	s4 =	simm.s32 $0x8000;
	s21 =	sadd.s32 $0x300, s21;
	s28 =	simm.s32 $0xB800  }
0x197: {  	[tilespmem:s28], [sflag:$0x2] =	stream.indirect_vreg.gather [hbm4b:s11+s2], $0x80, v2, vm0, $0xb8;
	[tilespmem:$0x1C000] =	vst v63  }
0x198: {  	_ =	swait.ge [sflag:s17], $0x4000  }
0x199: {  	[sflag:s17] =	ssyncset.done $0x0  }
0x19a: {  	s1 =	rddreg [dreg:$0xb];
	[sflag:s17] =	ssyncadd.s32 $0xFFFFC000  }
0x19b: {  	[hbm4b:s1+s2] =	stream.linear.scatter [tilespmem:s31], [sflag:$0x7], $0x4000, $0x38;
	[tilespmem:$0x1C000] =	vst v63  }
0x19c: {  	_ =	swait.ge [sflag:s19], $0x4000  }
0x19d: {  	[sflag:s19] =	ssyncset.done $0x0  }
0x19e: {  	[sflag:s19] =	ssyncadd.s32 $0xFFFFC000  }
0x19f: {  	_ =	swait.ge [sflag:s26], $0x4000  }
0x1a0: {  	[sflag:s26] =	ssyncset.done $0x0  }
0x1a1: {  	s24 =	rddreg [dreg:$0xc];
	[sflag:s26] =	ssyncadd.s32 $0xFFFFC000  }
0x1a2: {  	[hbm4b:s24+s2] =	stream.linear.scatter [tilespmem:s4], [sflag:$0x8], $0x4000, $0x38;
	[tilespmem:$0x1C000] =	vst v63  }
0x1a3: {  	_ =	swait.ge [sflag:s20], $0x4000  }
0x1a4: {  	[sflag:s20] =	ssyncset.done $0x0  }
0x1a5: {  	[sflag:s20] =	ssyncadd.s32 $0xFFFFC000  }
0x1a6: {  	_ =	swait.ge [sflag:s30], $0x4000  }
0x1a7: {  	[sflag:s30] =	ssyncset.done $0x0  }
0x1a8: {  	[sflag:s30] =	ssyncadd.s32 $0xFFFFC000  }
0x1a9: {  	_ =	swait.ge [sflag:s12], $0x4000  }
0x1aa: {  	[sflag:s12] =	ssyncset.done $0x0  }
0x1ab: {  	[sflag:s12] =	ssyncadd.s32 $0xFFFFC000  }
0x1ac: {  	_ =	swait.ge [sflag:s13], $0x4000  }
0x1ad: {  	[sflag:s13] =	ssyncset.done $0x0  }
0x1ae: {  	[sflag:s13] =	ssyncadd.s32 $0xFFFFC000  }
0x1af: {  	_ =	swait.ge [sflag:s15], $0x4000  }
0x1b0: {  	s0 =	rddreg [dreg:$0xe]  }
0x1b1: {  	s29 =	rddreg [dreg:$0xd];
	s0 =	sadd.s32 $0x1, s0  }
0x1b2: {  	p0 =	sne.s32 s0, s29  }
.Ltmp1:
0x1b3: {  	_ = 	snop;
	(pc) =	sbr.rel @p0 .LBB2_1-.Ltmp1, $4  }
0x1b4: {  	_ = 	snop  }
0x1b5: {  	s22 =	simm.s32 $0x4800;
	s28 =	simm.s32 $0x7000  }
0x1b6: {  	s21 =	simm.s32 $0x7800;
	s31 =	simm.s32 $0x6800;
	[sflag:s15] =	ssyncset.done $0x0  }
0x1b7: {  	s4 =	simm.s32 $0x5800;
	s24 =	simm.s32 $0x6000;
	[sflag:s15] =	ssyncadd.s32 $0xFFFFC000  }
0x1b8: {  	_ =	sfence.sel $0x180000  }
0x1b9: {  	[bflag:$0x0] =	sbarrier.arrive $0xFFFF  }
0x1ba: {  	_ =	strace $0x90000047  }
0x1bb: {  	s0 =	stileid.u32;
	[bflag:$0x2] =	sbarrier.arrive $0xFFFF  }
0x1bc: {  	p0 =	sne.s32 s0, $0x0;
	s0 =	rddreg [dreg:$0x2]  }
0x1bd: {  	s0 =	sadd.s32 @!p0 $0x100000, s0  }
0x1be: {  	[sflag:s0] =	ssyncadd.tile.s32 @!p0 $0x1;
	_ =	shalt  }
.Lfunc_end2:
_tile_overlayer_lowered:
.L_overlay_start_2:
0x1bf: {  	(tag) =	ssettag $0x2  }
0x1c0: {  	s0 =	rddreg [dreg:$0x0];
	s2 =	stileid.u32  }
0x1c1: {  	s1 =	rddreg [dreg:$0x1];
	p0 =	sne.s32 s2, $0x0  }
0x1c2: {  	s3 =	rddreg [dreg:$0x2];
	[bflag:$0x3] =	sbarrier.arrive $0xFFFF;
	s2 =	simm.s32 @!p0 $0x1C0D  }
0x1c3: {  	[timem:s3], [sflag:s2] =	dma.local @!p0 [hbm:s0], s1  }
0x1c4: {  	s0 =	simm.s32 @!p0 $0xD  }
0x1c5: {  	_ =	swait.ge @!p0 [sflag:s0], s1  }
0x1c6: {  	s1 =	ssub.s32 @!p0 $0x0, s1;
	[sflag:s0] =	ssyncset.done @!p0 $0x0  }
0x1c7: {  	[sflag:s0] =	ssyncadd.s32 @!p0 s1  }
0x1c8: {  	[bflag:$0x3] =	sbarrier.arrive $0xFFFF  }
0x1c9: {  	_ =	shalt  }

</sc_bundles>
